<compile_context>
chip_gen: v7x
topology: tpu7x:2x2x1
jax: 0.10.2.dev20260603
libtpu: 0.0.44.dev20260713+nightly
codegen_flags: <defaults>
</compile_context>

<pallas_src>
import jax
import jax.numpy as jnp
from jax import lax
from jax.experimental import pallas as pl
from jax.experimental.pallas import tpu as pltpu
from jax.experimental.pallas import tpu_sc as plsc

NC = 2
NS = 16
NW = NC * NS
B = 16384
V = 100000
D = 32
QB = 4096
NQ = B // QB
L = 16


def _gather_pass(row, idxb, outb):
  @plsc.parallel_loop(0, QB, L, unroll=16)
  def _(off):
    idxv = idxb[pl.ds(off, L)]
    outb[pl.ds(off, L)] = plsc.load_gather(row, [idxv])


def _embed_t(v_t, j_t, v_idx, j_idx, ot, row,
             idxb0, idxb1, outb0, outb1,
             semr, semi0, semi1, semo0, semo1):
  f = lax.axis_index("s") * NC + lax.axis_index("c")
  idxb = (idxb0, idxb1)
  outb = (outb0, outb1)
  semi = (semi0, semi1)
  semo = (semo0, semo1)

  row_cp = pltpu.async_copy(v_t.at[f], row, semr)
  idx_cp = [None, None]
  out_cp = [None, None]
  idx_cp[0] = pltpu.async_copy(v_idx.at[pl.ds(0, QB)], idxb[0], semi[0])

  tables = ((v_idx, 0), (j_idx, D))
  for t, (idx_hbm, obase) in enumerate(tables):
    for q in range(NQ):
      p = q % 2
      np_ = (q + 1) % 2
      idx_cp[p].wait()
      if q + 1 < NQ:
        idx_cp[np_] = pltpu.async_copy(
            idx_hbm.at[pl.ds((q + 1) * QB, QB)], idxb[np_], semi[np_])
      elif t == 0:
        idx_cp[np_] = pltpu.async_copy(
            j_idx.at[pl.ds(0, QB)], idxb[np_], semi[np_])
      if q == 0:
        row_cp.wait()
      if out_cp[p] is not None:
        out_cp[p].wait()
      _gather_pass(row, idxb[p], outb[p])
      out_cp[p] = pltpu.async_copy(
          outb[p], ot.at[obase + f, pl.ds(q * QB, QB)], semo[p])
    if t == 0:
      row_cp = pltpu.async_copy(j_t.at[f], row, semr)
  out_cp[0].wait()
  out_cp[1].wait()


@jax.jit
def _run(v_t, j_t, v_idx, j_idx):
  mesh = plsc.VectorSubcoreMesh(core_axis_name="c", subcore_axis_name="s")
  ot = pl.kernel(
      _embed_t,
      out_type=jax.ShapeDtypeStruct((2 * D, B), jnp.float32),
      mesh=mesh,
      compiler_params=pltpu.CompilerParams(needs_layout_passes=False),
      scratch_types=[
          pltpu.VMEM((V,), jnp.float32),
          pltpu.VMEM((QB,), jnp.int32),
          pltpu.VMEM((QB,), jnp.int32),
          pltpu.VMEM((QB,), jnp.float32),
          pltpu.VMEM((QB,), jnp.float32),
          pltpu.SemaphoreType.DMA,
          pltpu.SemaphoreType.DMA,
          pltpu.SemaphoreType.DMA,
          pltpu.SemaphoreType.DMA,
          pltpu.SemaphoreType.DMA,
      ],
  )(v_t, j_t, v_idx, j_idx)
  return ot.T


def kernel(v_idx, j_idx, v_table, j_table):
  return _run(v_table.T, j_table.T,
              v_idx.astype(jnp.int32), j_idx.astype(jnp.int32))

# --- scband reference (transcript-rebuilt; emitter-appended) ---
"""Pipeline reference for scband-gene-embedding-11914239279310 (READ-ONLY COPY).

The authoritative reference and input builder live on the scoring server;
editing this copy changes nothing except your own understanding.
"""

import jax, jax.numpy as jnp
import numpy as np

N_V = 100000
N_J = 100000
EMBED_DIM = 32
BATCH = 16384


def setup_inputs(seed: int = 0) -> dict:
    key = jax.random.key(seed)
    k1, k2, k3, k4 = jax.random.split(key, 4)
    v_idx = jax.random.randint(k1, (BATCH,), 0, N_V, dtype=jnp.int64 if jax.config.jax_enable_x64 else jnp.int32)
    j_idx = jax.random.randint(k2, (BATCH,), 0, N_J, dtype=jnp.int64 if jax.config.jax_enable_x64 else jnp.int32)
    v_table = jax.random.normal(k3, (N_V, EMBED_DIM), dtype=jnp.float32)
    j_table = jax.random.normal(k4, (N_J, EMBED_DIM), dtype=jnp.float32)
    # padding_idx=0: torch zeros the padding row at init
    v_table = v_table.at[0].set(0.0)
    j_table = j_table.at[0].set(0.0)
    return {"v_idx": v_idx, "j_idx": j_idx, "v_table": v_table, "j_table": j_table}


def reference(v_idx, j_idx, v_table, j_table):
    v_emb = jnp.take(v_table, v_idx, axis=0)
    j_emb = jnp.take(j_table, j_idx, axis=0)
    return jnp.concatenate([v_emb, j_emb], axis=-1)

if __name__ == "__main__":
    import jax
    _d = setup_inputs()
    print(jax.jit(kernel)(*tuple(_d.values())))

</pallas_src>

<mosaic_0001>
#map = affine_map<(d0, d1) -> (0, 0)>
#map1 = affine_map<(d0, d1) -> (0)>
module attributes {stable_mosaic.version = 14 : i64} {
  func.func @_embed_t(%arg0: i32, %arg1: i32, %arg2: memref<32x100000xf32, #tpu.memory_space<hbm>>, %arg3: memref<32x100000xf32, #tpu.memory_space<hbm>>, %arg4: memref<16384xi32, #tpu.memory_space<hbm>>, %arg5: memref<16384xi32, #tpu.memory_space<hbm>>, %arg6: memref<64x16384xf32, #tpu.memory_space<hbm>>, %arg7: memref<100000xf32, #tpu.memory_space<vmem>>, %arg8: memref<4096xi32, #tpu.memory_space<vmem>>, %arg9: memref<4096xi32, #tpu.memory_space<vmem>>, %arg10: memref<4096xf32, #tpu.memory_space<vmem>>, %arg11: memref<4096xf32, #tpu.memory_space<vmem>>, %arg12: memref<!tpu.dma_semaphore, #tpu.memory_space<semaphore_mem>>, %arg13: memref<!tpu.dma_semaphore, #tpu.memory_space<semaphore_mem>>, %arg14: memref<!tpu.dma_semaphore, #tpu.memory_space<semaphore_mem>>, %arg15: memref<!tpu.dma_semaphore, #tpu.memory_space<semaphore_mem>>, %arg16: memref<!tpu.dma_semaphore, #tpu.memory_space<semaphore_mem>>) attributes {dimension_semantics = [#tpu.dimension_semantics<core_parallel>, #tpu.dimension_semantics<subcore_parallel>], iteration_bounds = array<i64: 2, 16>, scalar_prefetch = 0 : i64, scratch_operands = 10 : i64, tpu.core_type = #tpu.core_type<sc_vector_subcore>, window_params = [{transform_indices = #map}, {transform_indices = #map}, {transform_indices = #map1}, {transform_indices = #map1}, {transform_indices = #map}]} {
    %mul3A = arith.constant 2 : i32
    %mul3A_0 = arith.muli %arg1, %mul3A : i32
    %add3A = arith.addi %mul3A_0, %arg0 : i32
    %dma_start3A = arith.constant 0 : i32
    %dma_start3A_1 = tpu.memref_slice %arg2[%add3A, %dma_start3A] : memref<32x100000xf32, #tpu.memory_space<hbm>> -> memref<1x100000xf32, #tpu.memory_space<hbm>>
    %dma_start3A_2 = tpu.memref_squeeze %dma_start3A_1 : memref<1x100000xf32, #tpu.memory_space<hbm>> -> memref<100000xf32, #tpu.memory_space<hbm>>
    %dma_start3A_3 = arith.constant 0 : i32
    %dma_start3A_4 = tpu.memref_slice %arg2[%add3A, %dma_start3A_3] : memref<32x100000xf32, #tpu.memory_space<hbm>> -> memref<1x100000xf32, #tpu.memory_space<hbm>>
    %dma_start3A_5 = tpu.memref_squeeze %dma_start3A_4 : memref<1x100000xf32, #tpu.memory_space<hbm>> -> memref<100000xf32, #tpu.memory_space<hbm>>
    tpu.enqueue_dma source(%dma_start3A_5 : memref<100000xf32, #tpu.memory_space<hbm>>) target(%arg7 : memref<100000xf32, #tpu.memory_space<vmem>>) target_semaphore(%arg12 : memref<!tpu.dma_semaphore, #tpu.memory_space<semaphore_mem>>)
    %dma_start3A_6 = arith.constant 0 : i32
    %dma_start3A_7 = tpu.memref_slice %arg4[%dma_start3A_6] : memref<16384xi32, #tpu.memory_space<hbm>> -> memref<4096xi32, #tpu.memory_space<hbm>>
    %dma_start3A_8 = arith.constant 0 : i32
    %dma_start3A_9 = tpu.memref_slice %arg4[%dma_start3A_8] : memref<16384xi32, #tpu.memory_space<hbm>> -> memref<4096xi32, #tpu.memory_space<hbm>>
    tpu.enqueue_dma source(%dma_start3A_9 : memref<4096xi32, #tpu.memory_space<hbm>>) target(%arg8 : memref<4096xi32, #tpu.memory_space<vmem>>) target_semaphore(%arg13 : memref<!tpu.dma_semaphore, #tpu.memory_space<semaphore_mem>>)
    %dma_wait3A = arith.constant 0 : i32
    %dma_wait3A_10 = tpu.memref_slice %arg4[%dma_wait3A] : memref<16384xi32, #tpu.memory_space<hbm>> -> memref<4096xi32, #tpu.memory_space<hbm>>
    %dma_wait3A_11 = arith.constant 0 : i32
    %dma_wait3A_12 = tpu.memref_slice %arg4[%dma_wait3A_11] : memref<16384xi32, #tpu.memory_space<hbm>> -> memref<4096xi32, #tpu.memory_space<hbm>>
    tpu.wait_dma2 semaphore(%arg13 : memref<!tpu.dma_semaphore, #tpu.memory_space<semaphore_mem>>) src(%dma_wait3A_12 : memref<4096xi32, #tpu.memory_space<hbm>>) dst(%arg8 : memref<4096xi32, #tpu.memory_space<vmem>>)
    %dma_start3A_13 = arith.constant 4096 : i32
    %dma_start3A_14 = tpu.memref_slice %arg4[%dma_start3A_13] : memref<16384xi32, #tpu.memory_space<hbm>> -> memref<4096xi32, #tpu.memory_space<hbm>>
    %dma_start3A_15 = arith.constant 4096 : i32
    %dma_start3A_16 = tpu.memref_slice %arg4[%dma_start3A_15] : memref<16384xi32, #tpu.memory_space<hbm>> -> memref<4096xi32, #tpu.memory_space<hbm>>
    tpu.enqueue_dma source(%dma_start3A_16 : memref<4096xi32, #tpu.memory_space<hbm>>) target(%arg9 : memref<4096xi32, #tpu.memory_space<vmem>>) target_semaphore(%arg14 : memref<!tpu.dma_semaphore, #tpu.memory_space<semaphore_mem>>)
    %dma_wait3A_17 = arith.constant 0 : i32
    %dma_wait3A_18 = tpu.memref_slice %arg2[%add3A, %dma_wait3A_17] : memref<32x100000xf32, #tpu.memory_space<hbm>> -> memref<1x100000xf32, #tpu.memory_space<hbm>>
    %dma_wait3A_19 = tpu.memref_squeeze %dma_wait3A_18 : memref<1x100000xf32, #tpu.memory_space<hbm>> -> memref<100000xf32, #tpu.memory_space<hbm>>
    %dma_wait3A_20 = arith.constant 0 : i32
    %dma_wait3A_21 = tpu.memref_slice %arg2[%add3A, %dma_wait3A_20] : memref<32x100000xf32, #tpu.memory_space<hbm>> -> memref<1x100000xf32, #tpu.memory_space<hbm>>
    %dma_wait3A_22 = tpu.memref_squeeze %dma_wait3A_21 : memref<1x100000xf32, #tpu.memory_space<hbm>> -> memref<100000xf32, #tpu.memory_space<hbm>>
    tpu.wait_dma2 semaphore(%arg12 : memref<!tpu.dma_semaphore, #tpu.memory_space<semaphore_mem>>) src(%dma_wait3A_22 : memref<100000xf32, #tpu.memory_space<hbm>>) dst(%arg7 : memref<100000xf32, #tpu.memory_space<vmem>>)
    %parallel_loop3A = arith.constant 0 : i32
    %parallel_loop3A_23 = arith.constant 4096 : i32
    %parallel_loop3A_24 = arith.constant 16 : i32
    scf.for %parallel_loop3A_222 = %parallel_loop3A to %parallel_loop3A_23 step %parallel_loop3A_24  : i32 {
      %parallel_loop3A_223 = arith.index_cast %parallel_loop3A_222 : i32 to index
      %parallel_loop3A_224 = tpu.vector_load %arg8[%parallel_loop3A_223] {strides = array<i32>} : memref<4096xi32, #tpu.memory_space<vmem>>, vector<16xi32>,
      %parallel_loop3A_225 = tpu.vector_load_idx %arg7[%parallel_loop3A_224] : memref<100000xf32, #tpu.memory_space<vmem>>[vector<16xi32>], vector<16xf32>,
      %parallel_loop3A_226 = arith.index_cast %parallel_loop3A_222 : i32 to index
      %parallel_loop3A_227 = tpu.vector_load %arg10[%parallel_loop3A_226] {strides = array<i32>} : memref<4096xf32, #tpu.memory_space<vmem>>, vector<16xf32>,
      tpu.vector_store %arg10[%parallel_loop3A_226], %parallel_loop3A_225 {strides = array<i32>} : memref<4096xf32, #tpu.memory_space<vmem>>, vector<16xf32>,
    } {sc.loop_unroll_factor = 16 : i64, sc.parallel_access}
    %add3A_25 = arith.constant 0 : i32
    %add3A_26 = arith.addi %add3A_25, %add3A : i32
    %dma_start3A_27 = arith.constant 0 : i32
    %dma_start3A_28 = tpu.memref_slice %arg6[%add3A_26, %dma_start3A_27] : memref<64x16384xf32, #tpu.memory_space<hbm>> -> memref<1x4096xf32, #tpu.memory_space<hbm>>
    %dma_start3A_29 = tpu.memref_squeeze %dma_start3A_28 : memref<1x4096xf32, #tpu.memory_space<hbm>> -> memref<4096xf32, #tpu.memory_space<hbm>>
    %dma_start3A_30 = arith.constant 0 : i32
    %dma_start3A_31 = tpu.memref_slice %arg6[%add3A_26, %dma_start3A_30] : memref<64x16384xf32, #tpu.memory_space<hbm>> -> memref<1x4096xf32, #tpu.memory_space<hbm>>
    %dma_start3A_32 = tpu.memref_squeeze %dma_start3A_31 : memref<1x4096xf32, #tpu.memory_space<hbm>> -> memref<4096xf32, #tpu.memory_space<hbm>>
    tpu.enqueue_dma source(%arg10 : memref<4096xf32, #tpu.memory_space<vmem>>) target(%dma_start3A_32 : memref<4096xf32, #tpu.memory_space<hbm>>) target_semaphore(%arg15 : memref<!tpu.dma_semaphore, #tpu.memory_space<semaphore_mem>>)
    %dma_wait3A_33 = arith.constant 4096 : i32
    %dma_wait3A_34 = tpu.memref_slice %arg4[%dma_wait3A_33] : memref<16384xi32, #tpu.memory_space<hbm>> -> memref<4096xi32, #tpu.memory_space<hbm>>
    %dma_wait3A_35 = arith.constant 4096 : i32
    %dma_wait3A_36 = tpu.memref_slice %arg4[%dma_wait3A_35] : memref<16384xi32, #tpu.memory_space<hbm>> -> memref<4096xi32, #tpu.memory_space<hbm>>
    tpu.wait_dma2 semaphore(%arg14 : memref<!tpu.dma_semaphore, #tpu.memory_space<semaphore_mem>>) src(%dma_wait3A_36 : memref<4096xi32, #tpu.memory_space<hbm>>) dst(%arg9 : memref<4096xi32, #tpu.memory_space<vmem>>)
    %dma_start3A_37 = arith.constant 8192 : i32
    %dma_start3A_38 = tpu.memref_slice %arg4[%dma_start3A_37] : memref<16384xi32, #tpu.memory_space<hbm>> -> memref<4096xi32, #tpu.memory_space<hbm>>
    %dma_start3A_39 = arith.constant 8192 : i32
    %dma_start3A_40 = tpu.memref_slice %arg4[%dma_start3A_39] : memref<16384xi32, #tpu.memory_space<hbm>> -> memref<4096xi32, #tpu.memory_space<hbm>>
    tpu.enqueue_dma source(%dma_start3A_40 : memref<4096xi32, #tpu.memory_space<hbm>>) target(%arg8 : memref<4096xi32, #tpu.memory_space<vmem>>) target_semaphore(%arg13 : memref<!tpu.dma_semaphore, #tpu.memory_space<semaphore_mem>>)
    %parallel_loop3A_41 = arith.constant 0 : i32
    %parallel_loop3A_42 = arith.constant 4096 : i32
    %parallel_loop3A_43 = arith.constant 16 : i32
    scf.for %parallel_loop3A_222 = %parallel_loop3A_41 to %parallel_loop3A_42 step %parallel_loop3A_43  : i32 {
      %parallel_loop3A_223 = arith.index_cast %parallel_loop3A_222 : i32 to index
      %parallel_loop3A_224 = tpu.vector_load %arg9[%parallel_loop3A_223] {strides = array<i32>} : memref<4096xi32, #tpu.memory_space<vmem>>, vector<16xi32>,
      %parallel_loop3A_225 = tpu.vector_load_idx %arg7[%parallel_loop3A_224] : memref<100000xf32, #tpu.memory_space<vmem>>[vector<16xi32>], vector<16xf32>,
      %parallel_loop3A_226 = arith.index_cast %parallel_loop3A_222 : i32 to index
      %parallel_loop3A_227 = tpu.vector_load %arg11[%parallel_loop3A_226] {strides = array<i32>} : memref<4096xf32, #tpu.memory_space<vmem>>, vector<16xf32>,
      tpu.vector_store %arg11[%parallel_loop3A_226], %parallel_loop3A_225 {strides = array<i32>} : memref<4096xf32, #tpu.memory_space<vmem>>, vector<16xf32>,
    } {sc.loop_unroll_factor = 16 : i64, sc.parallel_access}
    %add3A_44 = arith.constant 0 : i32
    %add3A_45 = arith.addi %add3A_44, %add3A : i32
    %dma_start3A_46 = arith.constant 4096 : i32
    %dma_start3A_47 = tpu.memref_slice %arg6[%add3A_45, %dma_start3A_46] : memref<64x16384xf32, #tpu.memory_space<hbm>> -> memref<1x4096xf32, #tpu.memory_space<hbm>>
    %dma_start3A_48 = tpu.memref_squeeze %dma_start3A_47 : memref<1x4096xf32, #tpu.memory_space<hbm>> -> memref<4096xf32, #tpu.memory_space<hbm>>
    %dma_start3A_49 = arith.constant 4096 : i32
    %dma_start3A_50 = tpu.memref_slice %arg6[%add3A_45, %dma_start3A_49] : memref<64x16384xf32, #tpu.memory_space<hbm>> -> memref<1x4096xf32, #tpu.memory_space<hbm>>
    %dma_start3A_51 = tpu.memref_squeeze %dma_start3A_50 : memref<1x4096xf32, #tpu.memory_space<hbm>> -> memref<4096xf32, #tpu.memory_space<hbm>>
    tpu.enqueue_dma source(%arg11 : memref<4096xf32, #tpu.memory_space<vmem>>) target(%dma_start3A_51 : memref<4096xf32, #tpu.memory_space<hbm>>) target_semaphore(%arg16 : memref<!tpu.dma_semaphore, #tpu.memory_space<semaphore_mem>>)
    %dma_wait3A_52 = arith.constant 8192 : i32
    %dma_wait3A_53 = tpu.memref_slice %arg4[%dma_wait3A_52] : memref<16384xi32, #tpu.memory_space<hbm>> -> memref<4096xi32, #tpu.memory_space<hbm>>
    %dma_wait3A_54 = arith.constant 8192 : i32
    %dma_wait3A_55 = tpu.memref_slice %arg4[%dma_wait3A_54] : memref<16384xi32, #tpu.memory_space<hbm>> -> memref<4096xi32, #tpu.memory_space<hbm>>
    tpu.wait_dma2 semaphore(%arg13 : memref<!tpu.dma_semaphore, #tpu.memory_space<semaphore_mem>>) src(%dma_wait3A_55 : memref<4096xi32, #tpu.memory_space<hbm>>) dst(%arg8 : memref<4096xi32, #tpu.memory_space<vmem>>)
    %dma_start3A_56 = arith.constant 12288 : i32
    %dma_start3A_57 = tpu.memref_slice %arg4[%dma_start3A_56] : memref<16384xi32, #tpu.memory_space<hbm>> -> memref<4096xi32, #tpu.memory_space<hbm>>
    %dma_start3A_58 = arith.constant 12288 : i32
    %dma_start3A_59 = tpu.memref_slice %arg4[%dma_start3A_58] : memref<16384xi32, #tpu.memory_space<hbm>> -> memref<4096xi32, #tpu.memory_space<hbm>>
    tpu.enqueue_dma source(%dma_start3A_59 : memref<4096xi32, #tpu.memory_space<hbm>>) target(%arg9 : memref<4096xi32, #tpu.memory_space<vmem>>) target_semaphore(%arg14 : memref<!tpu.dma_semaphore, #tpu.memory_space<semaphore_mem>>)
    %dma_wait3A_60 = arith.constant 0 : i32
    %dma_wait3A_61 = tpu.memref_slice %arg6[%add3A_26, %dma_wait3A_60] : memref<64x16384xf32, #tpu.memory_space<hbm>> -> memref<1x4096xf32, #tpu.memory_space<hbm>>
    %dma_wait3A_62 = tpu.memref_squeeze %dma_wait3A_61 : memref<1x4096xf32, #tpu.memory_space<hbm>> -> memref<4096xf32, #tpu.memory_space<hbm>>
    %dma_wait3A_63 = arith.constant 0 : i32
    %dma_wait3A_64 = tpu.memref_slice %arg6[%add3A_26, %dma_wait3A_63] : memref<64x16384xf32, #tpu.memory_space<hbm>> -> memref<1x4096xf32, #tpu.memory_space<hbm>>
    %dma_wait3A_65 = tpu.memref_squeeze %dma_wait3A_64 : memref<1x4096xf32, #tpu.memory_space<hbm>> -> memref<4096xf32, #tpu.memory_space<hbm>>
    tpu.wait_dma2 semaphore(%arg15 : memref<!tpu.dma_semaphore, #tpu.memory_space<semaphore_mem>>) src(%arg10 : memref<4096xf32, #tpu.memory_space<vmem>>) dst(%dma_wait3A_65 : memref<4096xf32, #tpu.memory_space<hbm>>)
    %parallel_loop3A_66 = arith.constant 0 : i32
    %parallel_loop3A_67 = arith.constant 4096 : i32
    %parallel_loop3A_68 = arith.constant 16 : i32
    scf.for %parallel_loop3A_222 = %parallel_loop3A_66 to %parallel_loop3A_67 step %parallel_loop3A_68  : i32 {
      %parallel_loop3A_223 = arith.index_cast %parallel_loop3A_222 : i32 to index
      %parallel_loop3A_224 = tpu.vector_load %arg8[%parallel_loop3A_223] {strides = array<i32>} : memref<4096xi32, #tpu.memory_space<vmem>>, vector<16xi32>,
      %parallel_loop3A_225 = tpu.vector_load_idx %arg7[%parallel_loop3A_224] : memref<100000xf32, #tpu.memory_space<vmem>>[vector<16xi32>], vector<16xf32>,
      %parallel_loop3A_226 = arith.index_cast %parallel_loop3A_222 : i32 to index
      %parallel_loop3A_227 = tpu.vector_load %arg10[%parallel_loop3A_226] {strides = array<i32>} : memref<4096xf32, #tpu.memory_space<vmem>>, vector<16xf32>,
      tpu.vector_store %arg10[%parallel_loop3A_226], %parallel_loop3A_225 {strides = array<i32>} : memref<4096xf32, #tpu.memory_space<vmem>>, vector<16xf32>,
    } {sc.loop_unroll_factor = 16 : i64, sc.parallel_access}
    %add3A_69 = arith.constant 0 : i32
    %add3A_70 = arith.addi %add3A_69, %add3A : i32
    %dma_start3A_71 = arith.constant 8192 : i32
    %dma_start3A_72 = tpu.memref_slice %arg6[%add3A_70, %dma_start3A_71] : memref<64x16384xf32, #tpu.memory_space<hbm>> -> memref<1x4096xf32, #tpu.memory_space<hbm>>
    %dma_start3A_73 = tpu.memref_squeeze %dma_start3A_72 : memref<1x4096xf32, #tpu.memory_space<hbm>> -> memref<4096xf32, #tpu.memory_space<hbm>>
    %dma_start3A_74 = arith.constant 8192 : i32
    %dma_start3A_75 = tpu.memref_slice %arg6[%add3A_70, %dma_start3A_74] : memref<64x16384xf32, #tpu.memory_space<hbm>> -> memref<1x4096xf32, #tpu.memory_space<hbm>>
    %dma_start3A_76 = tpu.memref_squeeze %dma_start3A_75 : memref<1x4096xf32, #tpu.memory_space<hbm>> -> memref<4096xf32, #tpu.memory_space<hbm>>
    tpu.enqueue_dma source(%arg10 : memref<4096xf32, #tpu.memory_space<vmem>>) target(%dma_start3A_76 : memref<4096xf32, #tpu.memory_space<hbm>>) target_semaphore(%arg15 : memref<!tpu.dma_semaphore, #tpu.memory_space<semaphore_mem>>)
    %dma_wait3A_77 = arith.constant 12288 : i32
    %dma_wait3A_78 = tpu.memref_slice %arg4[%dma_wait3A_77] : memref<16384xi32, #tpu.memory_space<hbm>> -> memref<4096xi32, #tpu.memory_space<hbm>>
    %dma_wait3A_79 = arith.constant 12288 : i32
    %dma_wait3A_80 = tpu.memref_slice %arg4[%dma_wait3A_79] : memref<16384xi32, #tpu.memory_space<hbm>> -> memref<4096xi32, #tpu.memory_space<hbm>>
    tpu.wait_dma2 semaphore(%arg14 : memref<!tpu.dma_semaphore, #tpu.memory_space<semaphore_mem>>) src(%dma_wait3A_80 : memref<4096xi32, #tpu.memory_space<hbm>>) dst(%arg9 : memref<4096xi32, #tpu.memory_space<vmem>>)
    %dma_start3A_81 = arith.constant 0 : i32
    %dma_start3A_82 = tpu.memref_slice %arg5[%dma_start3A_81] : memref<16384xi32, #tpu.memory_space<hbm>> -> memref<4096xi32, #tpu.memory_space<hbm>>
    %dma_start3A_83 = arith.constant 0 : i32
    %dma_start3A_84 = tpu.memref_slice %arg5[%dma_start3A_83] : memref<16384xi32, #tpu.memory_space<hbm>> -> memref<4096xi32, #tpu.memory_space<hbm>>
    tpu.enqueue_dma source(%dma_start3A_84 : memref<4096xi32, #tpu.memory_space<hbm>>) target(%arg8 : memref<4096xi32, #tpu.memory_space<vmem>>) target_semaphore(%arg13 : memref<!tpu.dma_semaphore, #tpu.memory_space<semaphore_mem>>)
    %dma_wait3A_85 = arith.constant 4096 : i32
    %dma_wait3A_86 = tpu.memref_slice %arg6[%add3A_45, %dma_wait3A_85] : memref<64x16384xf32, #tpu.memory_space<hbm>> -> memref<1x4096xf32, #tpu.memory_space<hbm>>
    %dma_wait3A_87 = tpu.memref_squeeze %dma_wait3A_86 : memref<1x4096xf32, #tpu.memory_space<hbm>> -> memref<4096xf32, #tpu.memory_space<hbm>>
    %dma_wait3A_88 = arith.constant 4096 : i32
    %dma_wait3A_89 = tpu.memref_slice %arg6[%add3A_45, %dma_wait3A_88] : memref<64x16384xf32, #tpu.memory_space<hbm>> -> memref<1x4096xf32, #tpu.memory_space<hbm>>
    %dma_wait3A_90 = tpu.memref_squeeze %dma_wait3A_89 : memref<1x4096xf32, #tpu.memory_space<hbm>> -> memref<4096xf32, #tpu.memory_space<hbm>>
    tpu.wait_dma2 semaphore(%arg16 : memref<!tpu.dma_semaphore, #tpu.memory_space<semaphore_mem>>) src(%arg11 : memref<4096xf32, #tpu.memory_space<vmem>>) dst(%dma_wait3A_90 : memref<4096xf32, #tpu.memory_space<hbm>>)
    %parallel_loop3A_91 = arith.constant 0 : i32
    %parallel_loop3A_92 = arith.constant 4096 : i32
    %parallel_loop3A_93 = arith.constant 16 : i32
    scf.for %parallel_loop3A_222 = %parallel_loop3A_91 to %parallel_loop3A_92 step %parallel_loop3A_93  : i32 {
      %parallel_loop3A_223 = arith.index_cast %parallel_loop3A_222 : i32 to index
      %parallel_loop3A_224 = tpu.vector_load %arg9[%parallel_loop3A_223] {strides = array<i32>} : memref<4096xi32, #tpu.memory_space<vmem>>, vector<16xi32>,
      %parallel_loop3A_225 = tpu.vector_load_idx %arg7[%parallel_loop3A_224] : memref<100000xf32, #tpu.memory_space<vmem>>[vector<16xi32>], vector<16xf32>,
      %parallel_loop3A_226 = arith.index_cast %parallel_loop3A_222 : i32 to index
      %parallel_loop3A_227 = tpu.vector_load %arg11[%parallel_loop3A_226] {strides = array<i32>} : memref<4096xf32, #tpu.memory_space<vmem>>, vector<16xf32>,
      tpu.vector_store %arg11[%parallel_loop3A_226], %parallel_loop3A_225 {strides = array<i32>} : memref<4096xf32, #tpu.memory_space<vmem>>, vector<16xf32>,
    } {sc.loop_unroll_factor = 16 : i64, sc.parallel_access}
    %add3A_94 = arith.constant 0 : i32
    %add3A_95 = arith.addi %add3A_94, %add3A : i32
    %dma_start3A_96 = arith.constant 12288 : i32
    %dma_start3A_97 = tpu.memref_slice %arg6[%add3A_95, %dma_start3A_96] : memref<64x16384xf32, #tpu.memory_space<hbm>> -> memref<1x4096xf32, #tpu.memory_space<hbm>>
    %dma_start3A_98 = tpu.memref_squeeze %dma_start3A_97 : memref<1x4096xf32, #tpu.memory_space<hbm>> -> memref<4096xf32, #tpu.memory_space<hbm>>
    %dma_start3A_99 = arith.constant 12288 : i32
    %dma_start3A_100 = tpu.memref_slice %arg6[%add3A_95, %dma_start3A_99] : memref<64x16384xf32, #tpu.memory_space<hbm>> -> memref<1x4096xf32, #tpu.memory_space<hbm>>
    %dma_start3A_101 = tpu.memref_squeeze %dma_start3A_100 : memref<1x4096xf32, #tpu.memory_space<hbm>> -> memref<4096xf32, #tpu.memory_space<hbm>>
    tpu.enqueue_dma source(%arg11 : memref<4096xf32, #tpu.memory_space<vmem>>) target(%dma_start3A_101 : memref<4096xf32, #tpu.memory_space<hbm>>) target_semaphore(%arg16 : memref<!tpu.dma_semaphore, #tpu.memory_space<semaphore_mem>>)
    %dma_start3A_102 = arith.constant 0 : i32
    %dma_start3A_103 = tpu.memref_slice %arg3[%add3A, %dma_start3A_102] : memref<32x100000xf32, #tpu.memory_space<hbm>> -> memref<1x100000xf32, #tpu.memory_space<hbm>>
    %dma_start3A_104 = tpu.memref_squeeze %dma_start3A_103 : memref<1x100000xf32, #tpu.memory_space<hbm>> -> memref<100000xf32, #tpu.memory_space<hbm>>
    %dma_start3A_105 = arith.constant 0 : i32
    %dma_start3A_106 = tpu.memref_slice %arg3[%add3A, %dma_start3A_105] : memref<32x100000xf32, #tpu.memory_space<hbm>> -> memref<1x100000xf32, #tpu.memory_space<hbm>>
    %dma_start3A_107 = tpu.memref_squeeze %dma_start3A_106 : memref<1x100000xf32, #tpu.memory_space<hbm>> -> memref<100000xf32, #tpu.memory_space<hbm>>
    tpu.enqueue_dma source(%dma_start3A_107 : memref<100000xf32, #tpu.memory_space<hbm>>) target(%arg7 : memref<100000xf32, #tpu.memory_space<vmem>>) target_semaphore(%arg12 : memref<!tpu.dma_semaphore, #tpu.memory_space<semaphore_mem>>)
    %dma_wait3A_108 = arith.constant 0 : i32
    %dma_wait3A_109 = tpu.memref_slice %arg5[%dma_wait3A_108] : memref<16384xi32, #tpu.memory_space<hbm>> -> memref<4096xi32, #tpu.memory_space<hbm>>
    %dma_wait3A_110 = arith.constant 0 : i32
    %dma_wait3A_111 = tpu.memref_slice %arg5[%dma_wait3A_110] : memref<16384xi32, #tpu.memory_space<hbm>> -> memref<4096xi32, #tpu.memory_space<hbm>>
    tpu.wait_dma2 semaphore(%arg13 : memref<!tpu.dma_semaphore, #tpu.memory_space<semaphore_mem>>) src(%dma_wait3A_111 : memref<4096xi32, #tpu.memory_space<hbm>>) dst(%arg8 : memref<4096xi32, #tpu.memory_space<vmem>>)
    %dma_start3A_112 = arith.constant 4096 : i32
    %dma_start3A_113 = tpu.memref_slice %arg5[%dma_start3A_112] : memref<16384xi32, #tpu.memory_space<hbm>> -> memref<4096xi32, #tpu.memory_space<hbm>>
    %dma_start3A_114 = arith.constant 4096 : i32
    %dma_start3A_115 = tpu.memref_slice %arg5[%dma_start3A_114] : memref<16384xi32, #tpu.memory_space<hbm>> -> memref<4096xi32, #tpu.memory_space<hbm>>
    tpu.enqueue_dma source(%dma_start3A_115 : memref<4096xi32, #tpu.memory_space<hbm>>) target(%arg9 : memref<4096xi32, #tpu.memory_space<vmem>>) target_semaphore(%arg14 : memref<!tpu.dma_semaphore, #tpu.memory_space<semaphore_mem>>)
    %dma_wait3A_116 = arith.constant 0 : i32
    %dma_wait3A_117 = tpu.memref_slice %arg3[%add3A, %dma_wait3A_116] : memref<32x100000xf32, #tpu.memory_space<hbm>> -> memref<1x100000xf32, #tpu.memory_space<hbm>>
    %dma_wait3A_118 = tpu.memref_squeeze %dma_wait3A_117 : memref<1x100000xf32, #tpu.memory_space<hbm>> -> memref<100000xf32, #tpu.memory_space<hbm>>
    %dma_wait3A_119 = arith.constant 0 : i32
    %dma_wait3A_120 = tpu.memref_slice %arg3[%add3A, %dma_wait3A_119] : memref<32x100000xf32, #tpu.memory_space<hbm>> -> memref<1x100000xf32, #tpu.memory_space<hbm>>
    %dma_wait3A_121 = tpu.memref_squeeze %dma_wait3A_120 : memref<1x100000xf32, #tpu.memory_space<hbm>> -> memref<100000xf32, #tpu.memory_space<hbm>>
    tpu.wait_dma2 semaphore(%arg12 : memref<!tpu.dma_semaphore, #tpu.memory_space<semaphore_mem>>) src(%dma_wait3A_121 : memref<100000xf32, #tpu.memory_space<hbm>>) dst(%arg7 : memref<100000xf32, #tpu.memory_space<vmem>>)
    %dma_wait3A_122 = arith.constant 8192 : i32
    %dma_wait3A_123 = tpu.memref_slice %arg6[%add3A_70, %dma_wait3A_122] : memref<64x16384xf32, #tpu.memory_space<hbm>> -> memref<1x4096xf32, #tpu.memory_space<hbm>>
    %dma_wait3A_124 = tpu.memref_squeeze %dma_wait3A_123 : memref<1x4096xf32, #tpu.memory_space<hbm>> -> memref<4096xf32, #tpu.memory_space<hbm>>
    %dma_wait3A_125 = arith.constant 8192 : i32
    %dma_wait3A_126 = tpu.memref_slice %arg6[%add3A_70, %dma_wait3A_125] : memref<64x16384xf32, #tpu.memory_space<hbm>> -> memref<1x4096xf32, #tpu.memory_space<hbm>>
    %dma_wait3A_127 = tpu.memref_squeeze %dma_wait3A_126 : memref<1x4096xf32, #tpu.memory_space<hbm>> -> memref<4096xf32, #tpu.memory_space<hbm>>
    tpu.wait_dma2 semaphore(%arg15 : memref<!tpu.dma_semaphore, #tpu.memory_space<semaphore_mem>>) src(%arg10 : memref<4096xf32, #tpu.memory_space<vmem>>) dst(%dma_wait3A_127 : memref<4096xf32, #tpu.memory_space<hbm>>)
    %parallel_loop3A_128 = arith.constant 0 : i32
    %parallel_loop3A_129 = arith.constant 4096 : i32
    %parallel_loop3A_130 = arith.constant 16 : i32
    scf.for %parallel_loop3A_222 = %parallel_loop3A_128 to %parallel_loop3A_129 step %parallel_loop3A_130  : i32 {
      %parallel_loop3A_223 = arith.index_cast %parallel_loop3A_222 : i32 to index
      %parallel_loop3A_224 = tpu.vector_load %arg8[%parallel_loop3A_223] {strides = array<i32>} : memref<4096xi32, #tpu.memory_space<vmem>>, vector<16xi32>,
      %parallel_loop3A_225 = tpu.vector_load_idx %arg7[%parallel_loop3A_224] : memref<100000xf32, #tpu.memory_space<vmem>>[vector<16xi32>], vector<16xf32>,
      %parallel_loop3A_226 = arith.index_cast %parallel_loop3A_222 : i32 to index
      %parallel_loop3A_227 = tpu.vector_load %arg10[%parallel_loop3A_226] {strides = array<i32>} : memref<4096xf32, #tpu.memory_space<vmem>>, vector<16xf32>,
      tpu.vector_store %arg10[%parallel_loop3A_226], %parallel_loop3A_225 {strides = array<i32>} : memref<4096xf32, #tpu.memory_space<vmem>>, vector<16xf32>,
    } {sc.loop_unroll_factor = 16 : i64, sc.parallel_access}
    %add3A_131 = arith.constant 32 : i32
    %add3A_132 = arith.addi %add3A_131, %add3A : i32
    %dma_start3A_133 = arith.constant 0 : i32
    %dma_start3A_134 = tpu.memref_slice %arg6[%add3A_132, %dma_start3A_133] : memref<64x16384xf32, #tpu.memory_space<hbm>> -> memref<1x4096xf32, #tpu.memory_space<hbm>>
    %dma_start3A_135 = tpu.memref_squeeze %dma_start3A_134 : memref<1x4096xf32, #tpu.memory_space<hbm>> -> memref<4096xf32, #tpu.memory_space<hbm>>
    %dma_start3A_136 = arith.constant 0 : i32
    %dma_start3A_137 = tpu.memref_slice %arg6[%add3A_132, %dma_start3A_136] : memref<64x16384xf32, #tpu.memory_space<hbm>> -> memref<1x4096xf32, #tpu.memory_space<hbm>>
    %dma_start3A_138 = tpu.memref_squeeze %dma_start3A_137 : memref<1x4096xf32, #tpu.memory_space<hbm>> -> memref<4096xf32, #tpu.memory_space<hbm>>
    tpu.enqueue_dma source(%arg10 : memref<4096xf32, #tpu.memory_space<vmem>>) target(%dma_start3A_138 : memref<4096xf32, #tpu.memory_space<hbm>>) target_semaphore(%arg15 : memref<!tpu.dma_semaphore, #tpu.memory_space<semaphore_mem>>)
    %dma_wait3A_139 = arith.constant 4096 : i32
    %dma_wait3A_140 = tpu.memref_slice %arg5[%dma_wait3A_139] : memref<16384xi32, #tpu.memory_space<hbm>> -> memref<4096xi32, #tpu.memory_space<hbm>>
    %dma_wait3A_141 = arith.constant 4096 : i32
    %dma_wait3A_142 = tpu.memref_slice %arg5[%dma_wait3A_141] : memref<16384xi32, #tpu.memory_space<hbm>> -> memref<4096xi32, #tpu.memory_space<hbm>>
    tpu.wait_dma2 semaphore(%arg14 : memref<!tpu.dma_semaphore, #tpu.memory_space<semaphore_mem>>) src(%dma_wait3A_142 : memref<4096xi32, #tpu.memory_space<hbm>>) dst(%arg9 : memref<4096xi32, #tpu.memory_space<vmem>>)
    %dma_start3A_143 = arith.constant 8192 : i32
    %dma_start3A_144 = tpu.memref_slice %arg5[%dma_start3A_143] : memref<16384xi32, #tpu.memory_space<hbm>> -> memref<4096xi32, #tpu.memory_space<hbm>>
    %dma_start3A_145 = arith.constant 8192 : i32
    %dma_start3A_146 = tpu.memref_slice %arg5[%dma_start3A_145] : memref<16384xi32, #tpu.memory_space<hbm>> -> memref<4096xi32, #tpu.memory_space<hbm>>
    tpu.enqueue_dma source(%dma_start3A_146 : memref<4096xi32, #tpu.memory_space<hbm>>) target(%arg8 : memref<4096xi32, #tpu.memory_space<vmem>>) target_semaphore(%arg13 : memref<!tpu.dma_semaphore, #tpu.memory_space<semaphore_mem>>)
    %dma_wait3A_147 = arith.constant 12288 : i32
    %dma_wait3A_148 = tpu.memref_slice %arg6[%add3A_95, %dma_wait3A_147] : memref<64x16384xf32, #tpu.memory_space<hbm>> -> memref<1x4096xf32, #tpu.memory_space<hbm>>
    %dma_wait3A_149 = tpu.memref_squeeze %dma_wait3A_148 : memref<1x4096xf32, #tpu.memory_space<hbm>> -> memref<4096xf32, #tpu.memory_space<hbm>>
    %dma_wait3A_150 = arith.constant 12288 : i32
    %dma_wait3A_151 = tpu.memref_slice %arg6[%add3A_95, %dma_wait3A_150] : memref<64x16384xf32, #tpu.memory_space<hbm>> -> memref<1x4096xf32, #tpu.memory_space<hbm>>
    %dma_wait3A_152 = tpu.memref_squeeze %dma_wait3A_151 : memref<1x4096xf32, #tpu.memory_space<hbm>> -> memref<4096xf32, #tpu.memory_space<hbm>>
    tpu.wait_dma2 semaphore(%arg16 : memref<!tpu.dma_semaphore, #tpu.memory_space<semaphore_mem>>) src(%arg11 : memref<4096xf32, #tpu.memory_space<vmem>>) dst(%dma_wait3A_152 : memref<4096xf32, #tpu.memory_space<hbm>>)
    %parallel_loop3A_153 = arith.constant 0 : i32
    %parallel_loop3A_154 = arith.constant 4096 : i32
    %parallel_loop3A_155 = arith.constant 16 : i32
    scf.for %parallel_loop3A_222 = %parallel_loop3A_153 to %parallel_loop3A_154 step %parallel_loop3A_155  : i32 {
      %parallel_loop3A_223 = arith.index_cast %parallel_loop3A_222 : i32 to index
      %parallel_loop3A_224 = tpu.vector_load %arg9[%parallel_loop3A_223] {strides = array<i32>} : memref<4096xi32, #tpu.memory_space<vmem>>, vector<16xi32>,
      %parallel_loop3A_225 = tpu.vector_load_idx %arg7[%parallel_loop3A_224] : memref<100000xf32, #tpu.memory_space<vmem>>[vector<16xi32>], vector<16xf32>,
      %parallel_loop3A_226 = arith.index_cast %parallel_loop3A_222 : i32 to index
      %parallel_loop3A_227 = tpu.vector_load %arg11[%parallel_loop3A_226] {strides = array<i32>} : memref<4096xf32, #tpu.memory_space<vmem>>, vector<16xf32>,
      tpu.vector_store %arg11[%parallel_loop3A_226], %parallel_loop3A_225 {strides = array<i32>} : memref<4096xf32, #tpu.memory_space<vmem>>, vector<16xf32>,
    } {sc.loop_unroll_factor = 16 : i64, sc.parallel_access}
    %add3A_156 = arith.constant 32 : i32
    %add3A_157 = arith.addi %add3A_156, %add3A : i32
    %dma_start3A_158 = arith.constant 4096 : i32
    %dma_start3A_159 = tpu.memref_slice %arg6[%add3A_157, %dma_start3A_158] : memref<64x16384xf32, #tpu.memory_space<hbm>> -> memref<1x4096xf32, #tpu.memory_space<hbm>>
    %dma_start3A_160 = tpu.memref_squeeze %dma_start3A_159 : memref<1x4096xf32, #tpu.memory_space<hbm>> -> memref<4096xf32, #tpu.memory_space<hbm>>
    %dma_start3A_161 = arith.constant 4096 : i32
    %dma_start3A_162 = tpu.memref_slice %arg6[%add3A_157, %dma_start3A_161] : memref<64x16384xf32, #tpu.memory_space<hbm>> -> memref<1x4096xf32, #tpu.memory_space<hbm>>
    %dma_start3A_163 = tpu.memref_squeeze %dma_start3A_162 : memref<1x4096xf32, #tpu.memory_space<hbm>> -> memref<4096xf32, #tpu.memory_space<hbm>>
    tpu.enqueue_dma source(%arg11 : memref<4096xf32, #tpu.memory_space<vmem>>) target(%dma_start3A_163 : memref<4096xf32, #tpu.memory_space<hbm>>) target_semaphore(%arg16 : memref<!tpu.dma_semaphore, #tpu.memory_space<semaphore_mem>>)
    %dma_wait3A_164 = arith.constant 8192 : i32
    %dma_wait3A_165 = tpu.memref_slice %arg5[%dma_wait3A_164] : memref<16384xi32, #tpu.memory_space<hbm>> -> memref<4096xi32, #tpu.memory_space<hbm>>
    %dma_wait3A_166 = arith.constant 8192 : i32
    %dma_wait3A_167 = tpu.memref_slice %arg5[%dma_wait3A_166] : memref<16384xi32, #tpu.memory_space<hbm>> -> memref<4096xi32, #tpu.memory_space<hbm>>
    tpu.wait_dma2 semaphore(%arg13 : memref<!tpu.dma_semaphore, #tpu.memory_space<semaphore_mem>>) src(%dma_wait3A_167 : memref<4096xi32, #tpu.memory_space<hbm>>) dst(%arg8 : memref<4096xi32, #tpu.memory_space<vmem>>)
    %dma_start3A_168 = arith.constant 12288 : i32
    %dma_start3A_169 = tpu.memref_slice %arg5[%dma_start3A_168] : memref<16384xi32, #tpu.memory_space<hbm>> -> memref<4096xi32, #tpu.memory_space<hbm>>
    %dma_start3A_170 = arith.constant 12288 : i32
    %dma_start3A_171 = tpu.memref_slice %arg5[%dma_start3A_170] : memref<16384xi32, #tpu.memory_space<hbm>> -> memref<4096xi32, #tpu.memory_space<hbm>>
    tpu.enqueue_dma source(%dma_start3A_171 : memref<4096xi32, #tpu.memory_space<hbm>>) target(%arg9 : memref<4096xi32, #tpu.memory_space<vmem>>) target_semaphore(%arg14 : memref<!tpu.dma_semaphore, #tpu.memory_space<semaphore_mem>>)
    %dma_wait3A_172 = arith.constant 0 : i32
    %dma_wait3A_173 = tpu.memref_slice %arg6[%add3A_132, %dma_wait3A_172] : memref<64x16384xf32, #tpu.memory_space<hbm>> -> memref<1x4096xf32, #tpu.memory_space<hbm>>
    %dma_wait3A_174 = tpu.memref_squeeze %dma_wait3A_173 : memref<1x4096xf32, #tpu.memory_space<hbm>> -> memref<4096xf32, #tpu.memory_space<hbm>>
    %dma_wait3A_175 = arith.constant 0 : i32
    %dma_wait3A_176 = tpu.memref_slice %arg6[%add3A_132, %dma_wait3A_175] : memref<64x16384xf32, #tpu.memory_space<hbm>> -> memref<1x4096xf32, #tpu.memory_space<hbm>>
    %dma_wait3A_177 = tpu.memref_squeeze %dma_wait3A_176 : memref<1x4096xf32, #tpu.memory_space<hbm>> -> memref<4096xf32, #tpu.memory_space<hbm>>
    tpu.wait_dma2 semaphore(%arg15 : memref<!tpu.dma_semaphore, #tpu.memory_space<semaphore_mem>>) src(%arg10 : memref<4096xf32, #tpu.memory_space<vmem>>) dst(%dma_wait3A_177 : memref<4096xf32, #tpu.memory_space<hbm>>)
    %parallel_loop3A_178 = arith.constant 0 : i32
    %parallel_loop3A_179 = arith.constant 4096 : i32
    %parallel_loop3A_180 = arith.constant 16 : i32
    scf.for %parallel_loop3A_222 = %parallel_loop3A_178 to %parallel_loop3A_179 step %parallel_loop3A_180  : i32 {
      %parallel_loop3A_223 = arith.index_cast %parallel_loop3A_222 : i32 to index
      %parallel_loop3A_224 = tpu.vector_load %arg8[%parallel_loop3A_223] {strides = array<i32>} : memref<4096xi32, #tpu.memory_space<vmem>>, vector<16xi32>,
      %parallel_loop3A_225 = tpu.vector_load_idx %arg7[%parallel_loop3A_224] : memref<100000xf32, #tpu.memory_space<vmem>>[vector<16xi32>], vector<16xf32>,
      %parallel_loop3A_226 = arith.index_cast %parallel_loop3A_222 : i32 to index
      %parallel_loop3A_227 = tpu.vector_load %arg10[%parallel_loop3A_226] {strides = array<i32>} : memref<4096xf32, #tpu.memory_space<vmem>>, vector<16xf32>,
      tpu.vector_store %arg10[%parallel_loop3A_226], %parallel_loop3A_225 {strides = array<i32>} : memref<4096xf32, #tpu.memory_space<vmem>>, vector<16xf32>,
    } {sc.loop_unroll_factor = 16 : i64, sc.parallel_access}
    %add3A_181 = arith.constant 32 : i32
    %add3A_182 = arith.addi %add3A_181, %add3A : i32
    %dma_start3A_183 = arith.constant 8192 : i32
    %dma_start3A_184 = tpu.memref_slice %arg6[%add3A_182, %dma_start3A_183] : memref<64x16384xf32, #tpu.memory_space<hbm>> -> memref<1x4096xf32, #tpu.memory_space<hbm>>
    %dma_start3A_185 = tpu.memref_squeeze %dma_start3A_184 : memref<1x4096xf32, #tpu.memory_space<hbm>> -> memref<4096xf32, #tpu.memory_space<hbm>>
    %dma_start3A_186 = arith.constant 8192 : i32
    %dma_start3A_187 = tpu.memref_slice %arg6[%add3A_182, %dma_start3A_186] : memref<64x16384xf32, #tpu.memory_space<hbm>> -> memref<1x4096xf32, #tpu.memory_space<hbm>>
    %dma_start3A_188 = tpu.memref_squeeze %dma_start3A_187 : memref<1x4096xf32, #tpu.memory_space<hbm>> -> memref<4096xf32, #tpu.memory_space<hbm>>
    tpu.enqueue_dma source(%arg10 : memref<4096xf32, #tpu.memory_space<vmem>>) target(%dma_start3A_188 : memref<4096xf32, #tpu.memory_space<hbm>>) target_semaphore(%arg15 : memref<!tpu.dma_semaphore, #tpu.memory_space<semaphore_mem>>)
    %dma_wait3A_189 = arith.constant 12288 : i32
    %dma_wait3A_190 = tpu.memref_slice %arg5[%dma_wait3A_189] : memref<16384xi32, #tpu.memory_space<hbm>> -> memref<4096xi32, #tpu.memory_space<hbm>>
    %dma_wait3A_191 = arith.constant 12288 : i32
    %dma_wait3A_192 = tpu.memref_slice %arg5[%dma_wait3A_191] : memref<16384xi32, #tpu.memory_space<hbm>> -> memref<4096xi32, #tpu.memory_space<hbm>>
    tpu.wait_dma2 semaphore(%arg14 : memref<!tpu.dma_semaphore, #tpu.memory_space<semaphore_mem>>) src(%dma_wait3A_192 : memref<4096xi32, #tpu.memory_space<hbm>>) dst(%arg9 : memref<4096xi32, #tpu.memory_space<vmem>>)
    %dma_wait3A_193 = arith.constant 4096 : i32
    %dma_wait3A_194 = tpu.memref_slice %arg6[%add3A_157, %dma_wait3A_193] : memref<64x16384xf32, #tpu.memory_space<hbm>> -> memref<1x4096xf32, #tpu.memory_space<hbm>>
    %dma_wait3A_195 = tpu.memref_squeeze %dma_wait3A_194 : memref<1x4096xf32, #tpu.memory_space<hbm>> -> memref<4096xf32, #tpu.memory_space<hbm>>
    %dma_wait3A_196 = arith.constant 4096 : i32
    %dma_wait3A_197 = tpu.memref_slice %arg6[%add3A_157, %dma_wait3A_196] : memref<64x16384xf32, #tpu.memory_space<hbm>> -> memref<1x4096xf32, #tpu.memory_space<hbm>>
    %dma_wait3A_198 = tpu.memref_squeeze %dma_wait3A_197 : memref<1x4096xf32, #tpu.memory_space<hbm>> -> memref<4096xf32, #tpu.memory_space<hbm>>
    tpu.wait_dma2 semaphore(%arg16 : memref<!tpu.dma_semaphore, #tpu.memory_space<semaphore_mem>>) src(%arg11 : memref<4096xf32, #tpu.memory_space<vmem>>) dst(%dma_wait3A_198 : memref<4096xf32, #tpu.memory_space<hbm>>)
    %parallel_loop3A_199 = arith.constant 0 : i32
    %parallel_loop3A_200 = arith.constant 4096 : i32
    %parallel_loop3A_201 = arith.constant 16 : i32
    scf.for %parallel_loop3A_222 = %parallel_loop3A_199 to %parallel_loop3A_200 step %parallel_loop3A_201  : i32 {
      %parallel_loop3A_223 = arith.index_cast %parallel_loop3A_222 : i32 to index
      %parallel_loop3A_224 = tpu.vector_load %arg9[%parallel_loop3A_223] {strides = array<i32>} : memref<4096xi32, #tpu.memory_space<vmem>>, vector<16xi32>,
      %parallel_loop3A_225 = tpu.vector_load_idx %arg7[%parallel_loop3A_224] : memref<100000xf32, #tpu.memory_space<vmem>>[vector<16xi32>], vector<16xf32>,
      %parallel_loop3A_226 = arith.index_cast %parallel_loop3A_222 : i32 to index
      %parallel_loop3A_227 = tpu.vector_load %arg11[%parallel_loop3A_226] {strides = array<i32>} : memref<4096xf32, #tpu.memory_space<vmem>>, vector<16xf32>,
      tpu.vector_store %arg11[%parallel_loop3A_226], %parallel_loop3A_225 {strides = array<i32>} : memref<4096xf32, #tpu.memory_space<vmem>>, vector<16xf32>,
    } {sc.loop_unroll_factor = 16 : i64, sc.parallel_access}
    %add3A_202 = arith.constant 32 : i32
    %add3A_203 = arith.addi %add3A_202, %add3A : i32
    %dma_start3A_204 = arith.constant 12288 : i32
    %dma_start3A_205 = tpu.memref_slice %arg6[%add3A_203, %dma_start3A_204] : memref<64x16384xf32, #tpu.memory_space<hbm>> -> memref<1x4096xf32, #tpu.memory_space<hbm>>
    %dma_start3A_206 = tpu.memref_squeeze %dma_start3A_205 : memref<1x4096xf32, #tpu.memory_space<hbm>> -> memref<4096xf32, #tpu.memory_space<hbm>>
    %dma_start3A_207 = arith.constant 12288 : i32
    %dma_start3A_208 = tpu.memref_slice %arg6[%add3A_203, %dma_start3A_207] : memref<64x16384xf32, #tpu.memory_space<hbm>> -> memref<1x4096xf32, #tpu.memory_space<hbm>>
    %dma_start3A_209 = tpu.memref_squeeze %dma_start3A_208 : memref<1x4096xf32, #tpu.memory_space<hbm>> -> memref<4096xf32, #tpu.memory_space<hbm>>
    tpu.enqueue_dma source(%arg11 : memref<4096xf32, #tpu.memory_space<vmem>>) target(%dma_start3A_209 : memref<4096xf32, #tpu.memory_space<hbm>>) target_semaphore(%arg16 : memref<!tpu.dma_semaphore, #tpu.memory_space<semaphore_mem>>)
    %dma_wait3A_210 = arith.constant 8192 : i32
    %dma_wait3A_211 = tpu.memref_slice %arg6[%add3A_182, %dma_wait3A_210] : memref<64x16384xf32, #tpu.memory_space<hbm>> -> memref<1x4096xf32, #tpu.memory_space<hbm>>
    %dma_wait3A_212 = tpu.memref_squeeze %dma_wait3A_211 : memref<1x4096xf32, #tpu.memory_space<hbm>> -> memref<4096xf32, #tpu.memory_space<hbm>>
    %dma_wait3A_213 = arith.constant 8192 : i32
    %dma_wait3A_214 = tpu.memref_slice %arg6[%add3A_182, %dma_wait3A_213] : memref<64x16384xf32, #tpu.memory_space<hbm>> -> memref<1x4096xf32, #tpu.memory_space<hbm>>
    %dma_wait3A_215 = tpu.memref_squeeze %dma_wait3A_214 : memref<1x4096xf32, #tpu.memory_space<hbm>> -> memref<4096xf32, #tpu.memory_space<hbm>>
    tpu.wait_dma2 semaphore(%arg15 : memref<!tpu.dma_semaphore, #tpu.memory_space<semaphore_mem>>) src(%arg10 : memref<4096xf32, #tpu.memory_space<vmem>>) dst(%dma_wait3A_215 : memref<4096xf32, #tpu.memory_space<hbm>>)
    %dma_wait3A_216 = arith.constant 12288 : i32
    %dma_wait3A_217 = tpu.memref_slice %arg6[%add3A_203, %dma_wait3A_216] : memref<64x16384xf32, #tpu.memory_space<hbm>> -> memref<1x4096xf32, #tpu.memory_space<hbm>>
    %dma_wait3A_218 = tpu.memref_squeeze %dma_wait3A_217 : memref<1x4096xf32, #tpu.memory_space<hbm>> -> memref<4096xf32, #tpu.memory_space<hbm>>
    %dma_wait3A_219 = arith.constant 12288 : i32
    %dma_wait3A_220 = tpu.memref_slice %arg6[%add3A_203, %dma_wait3A_219] : memref<64x16384xf32, #tpu.memory_space<hbm>> -> memref<1x4096xf32, #tpu.memory_space<hbm>>
    %dma_wait3A_221 = tpu.memref_squeeze %dma_wait3A_220 : memref<1x4096xf32, #tpu.memory_space<hbm>> -> memref<4096xf32, #tpu.memory_space<hbm>>
    tpu.wait_dma2 semaphore(%arg16 : memref<!tpu.dma_semaphore, #tpu.memory_space<semaphore_mem>>) src(%arg11 : memref<4096xf32, #tpu.memory_space<vmem>>) dst(%dma_wait3A_221 : memref<4096xf32, #tpu.memory_space<hbm>>)
    return
  }
}

</mosaic_0001>

<sc_bundles>
// kernel: _run.3.cloned.1.call-start
scs
__scs_entry_jumppad:
0x0: {  	(pc) =	sbr.rel $0x88, $3  }
0x1: {  	(tag) =	ssettag $0x0;
	lr =	simm.s32 $0x1  }
0x2: {  	[smem:$0x3F9D] =	sst lr;
	_ =	strace $0xD0000000  }
0x3: {  	_ = 	snop  }
0x4: {  	_ = 	snop  }
0x5: {  	_ = 	snop  }
0x6: {  	_ = 	snop  }
0x7: {  	_ = 	snop  }
__scs_overlays_trampoline_lowered:
0x8: {  	[smem:$0x3FAC] =	sst s0  }
0x9: {  	[smem:$0x3FAD] =	sst s1  }
0xa: {  	[smem:$0x3FAE] =	sst s2  }
0xb: {  	[smem:$0x3FAF] =	sst s3  }
0xc: {  	[smem:$0x3FB0] =	sst s4  }
0xd: {  	[smem:$0x3FB1] =	sst s5  }
0xe: {  	[smem:$0x3FB2] =	sst s6  }
0xf: {  	[smem:$0x3FB3] =	sst s7  }
0x10: {  	[smem:$0x3FB4] =	sst s8  }
0x11: {  	[smem:$0x3FB5] =	sst s9;
	s0 =	simm.s32 @!p0 $0x0  }
0x12: {  	s1 =	sld [smem:$0x3F9B];
	s0 =	simm.s32 @p0 $0x1  }
0x13: {  	[smem:$0x3FB6] =	sst s0;
	s0 =	simm.s32 @!p1 $0x0  }
0x14: {  	s2 =	sld [smem:$0x3F9A];
	s0 =	simm.s32 @p1 $0x1  }
0x15: {  	[smem:$0x3FB7] =	sst s0;
	s0 =	simm.s32 @!p2 $0x0  }
0x16: {  	s3 =	sld [smem:$0x3FDB];
	s0 =	simm.s32 @p2 $0x1  }
0x17: {  	s4 =	simm.s32 $0x1BF5;
	[smem:$0x3FB9] =	sst s0  }
0x18: {  	s0 =	sld [smem:$0x3F9C];
	_ =	swait.ge [sflag:s4], $0x0  }
0x19: {  	s7 =	sld [smem:$0x3F9D]  }
0x1a: {  	s8 =	sadd.s32 $0xFFFFE003, lr  }
0x1b: {  	s9 =	sadd.s32 $0xFFFFFEF7, lr;
	s5 =	simm.s32 $0xFFFFFFFF;
	p2 =	slt.u32 s8, $0xFFFFF086  }
0x1c: {  	p1 =	slt.u32 s9, $0xF7A;
	s5 =	simm.s32 @!p2 $0x0  }
0x1d: {  	s5 =	simm.s32 @p1 $0x1;
	p0 =	seq.s32 s7, s2  }
0x1e: {  	s7 =	smul.u32 @!p0 $0xF7A, s2;
	p2 =	seq.s32 @!p0 s5, $0x0  }
0x1f: {  	s9 =	smul.u32 $0xF7A, s1;
	s8 =	simm.s32 @!p0 $0x1BF5;
	p2 =	por !p2, p0  }
0x20: {  	[sflag:s8] =	ssyncset.s32 @!p0 $0xFFFFF086;
	s6 =	sadd.s32 @!p0 s3, s7;
	s7 =	simm.s32 @!p0 $0x108  }
0x21: {  	s3 =	sadd.s32 s3, s9;
	s6 =	sadd.s32 @!p0 $0x88, s6;
	s7 =	simm.s32 @p2 $0x1082  }
0x22: {  	[simem:s7], [sflag:s8] =	dma.local @!p0 [hbm:s6], $0xF7A  }
0x23: {  	s9 =	sor.u32 $0xD0000000, s2;
	s6 =	simm.s32 $0x108;
	_ =	swait.ge @!p0 [sflag:s8], $0x0  }
0x24: {  	s3 =	sadd.s32 $0x88, s3;
	s6 =	simm.s32 @!p1 $0x1082;
	[sflag:s4] =	ssyncset.s32 $0xFFFFF086  }
0x25: {  	[simem:s6], [sflag:s4] =	dma.local [hbm:s3], $0xF7A  }
0x26: {  	[smem:$0x3F9D] =	sst s1;
	(tag) =	ssettag s2;
	_ =	strace s9  }
0x27: {  	s1 =	sld [smem:$0x3FAD]  }
0x28: {  	s2 =	sld [smem:$0x3FAE]  }
0x29: {  	s4 =	sld [smem:$0x3FB0]  }
0x2a: {  	p0 =	seq.s32 s5, $0x0;
	s5 =	sld [smem:$0x3FB1]  }
0x2b: {  	s6 =	sld [smem:$0x3FB2]  }
0x2c: {  	s7 =	sld [smem:$0x3FB3]  }
0x2d: {  	s3 =	simm.s32 $0x108;
	s8 =	sld [smem:$0x3FB4]  }
0x2e: {  	s3 =	simm.s32 @!p0 $0x1082;
	s9 =	sld [smem:$0x3FB5]  }
0x2f: {  	lr =	sadd.s32 s0, s3;
	s0 =	sld [smem:$0x3FAC]  }
0x30: {  	s3 =	sld [smem:$0x3FAF]  }
0x31: {  	[smem:$0x3FB8] =	sst s10  }
0x32: {  	s10 =	sld [smem:$0x3FB6];
	_ =	sdelay $0x3  }
0x33: {  	p0 =	seq.s32 s10, $0x1;
	s10 =	sld [smem:$0x3FB8];
	_ =	sdelay $0x3  }
0x34: {  	[smem:$0x3FB8] =	sst s10  }
0x35: {  	s10 =	sld [smem:$0x3FB7];
	_ =	sdelay $0x3  }
0x36: {  	p1 =	seq.s32 s10, $0x1;
	s10 =	sld [smem:$0x3FB8];
	_ =	sdelay $0x3  }
0x37: {  	[smem:$0x3FB8] =	sst s10  }
0x38: {  	s10 =	sld [smem:$0x3FB9]  }
0x39: {  	_ = 	snop;
	(pc) =	sbr.ind lr, $3  }
0x3a: {  	_ = 	snop  }
0x3b: {  	_ = 	snop  }
0x3c: {  	p2 =	seq.s32 s10, $0x1;
	s10 =	sld [smem:$0x3FB8]  }
0x3d: {  	_ =	shalt  }
0x3e: {  	_ =	shalt  }
0x3f: {  	_ =	shalt  }
0x40: {  	_ =	shalt  }
0x41: {  	_ =	shalt  }
0x42: {  	_ =	shalt  }
0x43: {  	_ =	shalt  }
0x44: {  	_ =	shalt  }
0x45: {  	_ =	shalt  }
0x46: {  	_ =	shalt  }
0x47: {  	_ =	shalt  }
0x48: {  	_ =	shalt  }
0x49: {  	_ =	shalt  }
0x4a: {  	_ =	shalt  }
0x4b: {  	_ =	shalt  }
0x4c: {  	_ =	shalt  }
0x4d: {  	_ =	shalt  }
0x4e: {  	_ =	shalt  }
0x4f: {  	_ =	shalt  }
0x50: {  	_ =	shalt  }
0x51: {  	_ =	shalt  }
0x52: {  	_ =	shalt  }
0x53: {  	_ =	shalt  }
0x54: {  	_ =	shalt  }
0x55: {  	_ =	shalt  }
0x56: {  	_ =	shalt  }
0x57: {  	_ =	shalt  }
0x58: {  	_ =	shalt  }
0x59: {  	_ =	shalt  }
0x5a: {  	_ =	shalt  }
0x5b: {  	_ =	shalt  }
0x5c: {  	_ =	shalt  }
0x5d: {  	_ =	shalt  }
0x5e: {  	_ =	shalt  }
0x5f: {  	_ =	shalt  }
0x60: {  	_ =	shalt  }
0x61: {  	_ =	shalt  }
0x62: {  	_ =	shalt  }
0x63: {  	_ =	shalt  }
0x64: {  	_ =	shalt  }
0x65: {  	_ =	shalt  }
0x66: {  	_ =	shalt  }
0x67: {  	_ =	shalt  }
0x68: {  	_ =	shalt  }
0x69: {  	_ =	shalt  }
0x6a: {  	_ =	shalt  }
0x6b: {  	_ =	shalt  }
0x6c: {  	_ =	shalt  }
0x6d: {  	_ =	shalt  }
0x6e: {  	_ =	shalt  }
0x6f: {  	_ =	shalt  }
0x70: {  	_ =	shalt  }
0x71: {  	_ =	shalt  }
0x72: {  	_ =	shalt  }
0x73: {  	_ =	shalt  }
0x74: {  	_ =	shalt  }
0x75: {  	_ =	shalt  }
0x76: {  	_ =	shalt  }
0x77: {  	_ =	shalt  }
0x78: {  	_ =	shalt  }
0x79: {  	_ =	shalt  }
0x7a: {  	_ =	shalt  }
0x7b: {  	_ =	shalt  }
0x7c: {  	_ =	shalt  }
0x7d: {  	_ =	shalt  }
0x7e: {  	_ =	shalt  }
0x7f: {  	_ =	shalt  }
0x80: {  	_ =	shalt  }
0x81: {  	_ =	shalt  }
0x82: {  	_ =	shalt  }
0x83: {  	_ =	shalt  }
0x84: {  	_ =	shalt  }
0x85: {  	_ =	shalt  }
0x86: {  	_ =	shalt  }
0x87: {  	_ =	shalt  }
.Lfunc_end0:
.L_simem_size_0:
called_computation_lowered:
.L_overlay_start_0:
0x88: {  	s2 =	sld [smem:$0x3FD9]  }
0x89: {  	s3 =	sld [smem:$0x3FFE];
	_ =	sdelay $0x1  }
0x8a: {  	s1 =	srdreg.scid  }
0x8b: {  	s0 =	sand.u32 $0x1, s1  }
0x8c: {  	s18 =	sshll.u32 s0, $0xA;
	s2 =	sadd.s32 s3, s2  }
0x8d: {  	s2 =	sadd.s32 s2, s18  }
0x8e: {  	[smem:$0x3FC4] =	sst s2  }
0x8f: {  	_ = 	snop  }
0x90: {  	s2 =	sld [smem:$0x3FC9]  }
0x91: {  	s19 =	sld [smem:$0x3FC8]  }
0x92: {  	s4 =	sld [smem:$0x3FC7]  }
0x93: {  	s5 =	sld [smem:$0x3FC6]  }
0x94: {  	s6 =	sld [smem:$0x3FD0];
	(tm) =	ssettm $0x1  }
0x95: {  	s7 =	sld [smem:$0x3FFB];
	_ =	sdelay $0x3  }
0x96: {  	_ =	strace s7  }
0x97: {  	s7 =	sld [smem:$0x3FFC];
	_ =	sdelay $0x3  }
0x98: {  	_ =	strace s7  }
0x99: {  	s7 =	sld [smem:$0x3FFD];
	_ =	sdelay $0x3  }
0x9a: {  	_ =	strace s7  }
0x9b: {  	_ =	strace $0x8FFFFFFF  }
0x9c: {  	s20 =	sld [smem:$0x3FDB];
	_ =	sdelay $0x1  }
0x9d: {  	s8 =	simm.s32 $_scs_section_size  }
0x9e: {  	s9 =	simm.s32 $_size__tile_overlayer_lowered;
	s10 =	simm.s32 $_tile_overlayer_lowered  }
0x9f: {  	s23 =	simm.s32 $0x1BFF;
	s22 =	sshll.u32 s10, $0x1;
	s7 =	sadd.s32 s8, s20  }
0xa0: {  	s11 =	simm.s32 $0x0;
	s21 =	sshll.u32 s9, $0x1;
	s9 =	sadd.s32 s22, s7  }
0xa1: {  	[timem:s11], [sflag:s23] =	dma.local [hbm:s9], s21  }
0xa2: {  	_ =	swait.ge [sflag:s23], s21  }
0xa3: {  	s8 =	ssub.s32 $0x0, s21;
	[sflag:s23] =	ssyncset.done $0x0  }
0xa4: {  	[sflag:s23] =	ssyncadd.s32 s8;
	_ =	sdelay $0x1  }
0xa5: {  	s24 =	simm.s32 $0x1B8B  }
0xa6: {  	_ =	swait.ge [sflag:s24], $0x1  }
0xa7: {  	[sflag:s24] =	ssyncset.done $0x0  }
0xa8: {  	s25 =	simm.s32 $0x1B8E;
	[sflag:s24] =	ssyncadd.s32 $0xFFFFFFFF  }
0xa9: {  	s26 =	simm.s32 $execute0_lowered;
	[smem:$0x3FD2] =	sst s25  }
0xaa: {  	s8 =	sshll.u32 s26, $0x1;
	_ =	strace $0x80000046;
	[dreg:$0x1] =	wrdreg $0xFFFFFFFF  }
0xab: {  	s28 =	simm.s32 $_size_execute0_lowered;
	s7 =	sadd.s32 s7, s8;
	[dreg:$0x0] =	wrdreg $0x0  }
0xac: {  	s8 =	sshll.u32 s28, $0x1;
	[dreg:$0x2] =	wrdreg s7  }
0xad: {  	[dreg:$0x3] =	wrdreg s8  }
0xae: {  	[dreg:$0x4] =	wrdreg $0xC0  }
0xaf: {  	_ =	task [dreg:s11], $0x5FFFF  }
0xb0: {  	[dreg:$0x1] =	wrdreg $0xFFFFFFFF  }
0xb1: {  	[dreg:$0x0] =	wrdreg $0x60  }
0xb2: {  	[dreg:$0x2] =	wrdreg s2  }
0xb3: {  	[dreg:$0x3] =	wrdreg s19  }
0xb4: {  	[dreg:$0x4] =	wrdreg s4  }
0xb5: {  	[dreg:$0x5] =	wrdreg s5  }
0xb6: {  	[dreg:$0x6] =	wrdreg s6  }
0xb7: {  	[dreg:$0x7] =	wrdreg $0x9  }
0xb8: {  	_ =	task.clear_ibuf [dreg:s11], $0x8FFFF;
	_ =	strace $0x90000046  }
0xb9: {  	s29 =	simm.s32 $0x9;
	_ =	strace $0x80000048  }
0xba: {  	_ =	swait.ge [sflag:s29], $0x1  }
0xbb: {  	[sflag:s29] =	ssyncadd.s32 $0xFFFFFFFF  }
0xbc: {  	_ =	strace $0x90000048  }
0xbd: {  	_ =	sfence  }
0xbe: {  	s30 =	sld [smem:$0x0];
	_ =	sdelay $0x2  }
0xbf: {  	s31 =	sshll.u32 s1, $0xD;
	s1 =	sshrl.u32 s1, $0x2  }
0xc0: {  	s3 =	sand.u32 $0x4000, s31;
	s1 =	sadd.s32 s1, s30  }
0xc1: {  	s0 =	sor.u32 s3, s0;
	s1 =	sshll.u32 s1, $0x11  }
0xc2: {  	s0 =	sor.u32 s1, s0  }
0xc3: {  	s0 =	sadd.s32 $0x8F2B, s0  }
0xc4: {  	[sflag:s0] =	ssyncadd.remote.s32 $0x1  }
0xc5: {  	_ =	sfence.sel $0xFFFF  }
0xc6: {  	[dreg:$0x0] =	wrdreg $0xFFFFFFFF;
	(pc) =	sbr.abs _section_cstart, $3  }
0xc7: {  	[dreg:$0x1] =	wrdreg $0xFFFFFFFF  }
0xc8: {  	_ =	task.clear_ibuf [dreg:s11], $0x2FFFF;
	_ =	strace $0x9FFFFFFF  }
0xc9: {  	(tm) =	ssettm $0x7FFFFFFF  }
tec
execute0_lowered:
.L_overlay_start_1:
0x0: {  	(tag) =	ssettag $0x1  }
0x1: {  	s0 =	rddreg [dreg:$0x0]  }
0x2: {  	s1 =	rddreg [dreg:$0x1]  }
0x3: {  	s10 =	rddreg [dreg:$0x2]  }
0x4: {  	s18 =	rddreg [dreg:$0x3]  }
0x5: {  	s2 =	rddreg [dreg:$0x4];
	s4 =	simm.s32 $0x0;
	s3 =	srdreg.scid  }
0x6: {  	s9 =	stileid.u32;
	s28 =	simm.s32 $0x1;
	s29 =	simm.s32 $0x1A700  }
0x7: {  	s30 =	simm.s32 $0x3;
	s31 =	simm.s32 $0x1B700;
	[smem:$0x7FF] =	sst s4  }
0x8: {  	s3 =	sand.u32 $0x1, s3;
	s5 =	sshrl.u32 s9, $0x2;
	s6 =	sshll.u32 s9, $0x8  }
0x9: {  	s23 =	sadd.s32 $0x200, s10;
	s24 =	sshll.u32 s9, $0xF;
	s14 =	sadd.s32 $0x200, s18  }
0xa: {  	s16 =	sadd.s32 $0x400, s18;
	s18 =	sadd.s32 $0x600, s18;
	s7 =	sshll.u32 s3, $0x7  }
0xb: {  	s6 =	sand.u32 $0x300, s6;
	s8 =	smul.u32 $0xC3800, s5;
	_ =	strace $0x80000047  }
0xc: {  	s3 =	ssub.s32 $0x2, s3;
	s5 =	sshll.u32 s5, $0x11;
	[dreg:$0x7] =	wrdreg s23  }
0xd: {  	s25 =	sand.u32 $0x60000, s24;
	s23 =	simm.s32 $0x400;
	s6 =	sor.u32 s7, s6  }
0xe: {  	s21 =	sshrl.u32 s3, $0x1;
	s7 =	sor.u32 s8, s6;
	s5 =	sor.u32 s5, s6  }
0xf: {  	s3 =	ssub.s32 s3, s21;
	s8 =	sadd.s32 $0x400, s10;
	s10 =	sadd.s32 $0x600, s10  }
0x10: {  	s13 =	sshrl.u32 s7, $0x3;
	s22 =	sshrl.u32 s5, $0x3;
	s5 =	sor.u32 s25, s6  }
0x11: {  	s21 =	smax.u32 s3, $0x1;
	s25 =	simm.s32 $0x2;
	s3 =	simm.s32 $0x5  }
0x12: {  	s0 =	sadd.s32 s0, s13;
	s7 =	sadd.s32 s2, s22;
	s13 =	sadd.s32 s1, s13  }
0x13: {  	s26 =	sshrl.u32 s5, $0x3;
	s22 =	simm.s32 $0x80;
	[dreg:$0x6] =	wrdreg s0  }
0x14: {  	s9 =	sadd.s32 $0x1000, s7;
	s11 =	sadd.s32 $0x2000, s7;
	s12 =	sadd.s32 $0x3000, s7  }
0x15: {  	s1 =	sadd.s32 s26, s2;
	s0 =	sor.u32 s24, s6;
	s24 =	simm.s32 $0x18700  }
0x16: {  	s26 =	simm.s32 $0x19700;
	s15 =	sadd.s32 $0x10000, s1;
	s0 =	sshrl.u32 s0, $0x3  }
0x17: {  	s17 =	sadd.s32 $0x11000, s1;
	s19 =	sadd.s32 $0x12000, s1;
	s0 =	sor.u32 $0x13000, s0  }
0x18: {  	s1 =	simm.s32 $0x0;
	s20 =	sadd.s32 s2, s0;
	s0 =	simm.s32 $0x4  }
.LBB2_1:
0x19: {  	s2 =	rddreg [dreg:$0x6]  }
0x1a: {  	[tilespmem:s4], [sflag:$0x1] =	stream.strided.gather [hbm4b:s2+s22], $0x18700, s23, s22, $0x38;
	[tilespmem:$0x1C700] =	vst v63  }
0x1b: {  	s6 =	rddreg [dreg:$0x2]  }
0x1c: {  	[tilespmem:s24], [sflag:$0x2] =	stream.linear.gather [hbm4b:s6+s4], $0x1000, $0x38;
	[tilespmem:$0x1C700] =	vst v63  }
0x1d: {  	_ =	swait.ge [sflag:s25], $0x1000  }
0x1e: {  	[sflag:s25] =	ssyncset.done $0x0  }
0x1f: {  	s5 =	rddreg [dreg:$0x7];
	[sflag:s25] =	ssyncadd.s32 $0xFFFFF000  }
0x20: {  	[tilespmem:s26], [sflag:$0x3] =	stream.linear.gather [hbm4b:s5+s4], $0x1000, $0x38;
	[tilespmem:$0x1C700] =	vst v63  }
0x21: {  	_ =	swait.ge [sflag:s28], $0x18700  }
0x22: {  	[sflag:s28] =	ssyncset.done $0x0  }
0x23: {  	s6 =	simm.s32 $0x18780;
	[sflag:s28] =	ssyncadd.s32 $0xFFFE7900  }
0x24: {  	v0 =	vld [tilespmem:s6+$0x70]  }
0x25: {  	v1 =	vld [tilespmem:s6+$0xFFFFFF90]  }
0x26: {  	v2 =	vld [tilespmem:s6+$0xFFFFFFA0]  }
0x27: {  	v3 =	vld [tilespmem:s6+$0xFFFFFFB0]  }
0x28: {  	v4 =	vld [tilespmem:s6+$0xFFFFFFC0]  }
0x29: {  	v5 =	vld [tilespmem:s6+$0xFFFFFFD0]  }
0x2a: {  	v6 =	vld [tilespmem:s6+$0xFFFFFFE0]  }
0x2b: {  	v7 =	vld [tilespmem:s6+$0xFFFFFFF0]  }
0x2c: {  	v8 =	vld [tilespmem:s6+$0x0]  }
0x2d: {  	v9 =	vld [tilespmem:s6+$0x10]  }
0x2e: {  	v10 =	vld [tilespmem:s6+$0x20]  }
0x2f: {  	v11 =	vld [tilespmem:s6+$0x30]  }
0x30: {  	v12 =	vld [tilespmem:s6+$0x40]  }
0x31: {  	v13 =	vld [tilespmem:s6+$0x50]  }
0x32: {  	v14 =	vld [tilespmem:s6+$0x60]  }
0x33: {  	v15 =	vld [tilespmem:s6+$0xFFFFFF80]  }
0x34: {  	v0 =	vld.idx.msk [tilespmem:v0+s4+$0x0], $0xffff  }
0x35: {  	v1 =	vld.idx.msk [tilespmem:v1+s4+$0x0], $0xffff  }
0x36: {  	v2 =	vld.idx.msk [tilespmem:v2+s4+$0x0], $0xffff  }
0x37: {  	v3 =	vld.idx.msk [tilespmem:v3+s4+$0x0], $0xffff  }
0x38: {  	v4 =	vld.idx.msk [tilespmem:v4+s4+$0x0], $0xffff  }
0x39: {  	s2 =	simm.s32 $0x1A780;
	v5 =	vld.idx.msk [tilespmem:v5+s4+$0x0], $0xffff  }
0x3a: {  	v6 =	vld.idx.msk [tilespmem:v6+s4+$0x0], $0xffff;
	[tilespmem:s2+$0x70] =	vst v0  }
0x3b: {  	v7 =	vld.idx.msk [tilespmem:v7+s4+$0x0], $0xffff;
	[tilespmem:s2+$0xFFFFFF90] =	vst v1  }
0x3c: {  	v15 =	vld.idx.msk [tilespmem:v15+s4+$0x0], $0xffff;
	[tilespmem:s2+$0xFFFFFFA0] =	vst v2  }
0x3d: {  	v8 =	vld.idx.msk [tilespmem:v8+s4+$0x0], $0xffff;
	[tilespmem:s2+$0xFFFFFFB0] =	vst v3  }
0x3e: {  	[tilespmem:s2+$0xFFFFFFC0] =	vst v4;
	v0 =	vld.idx.msk [tilespmem:v9+s4+$0x0], $0xffff  }
0x3f: {  	[tilespmem:s2+$0xFFFFFFD0] =	vst v5;
	v1 =	vld.idx.msk [tilespmem:v10+s4+$0x0], $0xffff  }
0x40: {  	[tilespmem:s2+$0xFFFFFFE0] =	vst v6;
	v2 =	vld.idx.msk [tilespmem:v11+s4+$0x0], $0xffff  }
0x41: {  	[tilespmem:s2+$0xFFFFFFF0] =	vst v7;
	v3 =	vld.idx.msk [tilespmem:v12+s4+$0x0], $0xffff  }
0x42: {  	[tilespmem:s2+$0xFFFFFF80] =	vst v15;
	v4 =	vld.idx.msk [tilespmem:v13+s4+$0x0], $0xffff  }
0x43: {  	s5 =	simm.s32 $0x0;
	s6 =	simm.s32 $0x18880;
	[tilespmem:s2+$0x0] =	vst v8;
	v5 =	vld.idx.msk [tilespmem:v14+s4+$0x0], $0xffff  }
.LBB2_2:
0x44: {  	v6 =	vld [tilespmem:s6+$0x70];
	s5 =	sadd.s32 $0x100, s5;
	[tilespmem:s2+$0x10] =	vst v0  }
0x45: {  	v0 =	vld [tilespmem:s6+$0xFFFFFF90];
	p0 =	slt.u32 s5, $0xF00;
	[tilespmem:s2+$0x20] =	vst v1  }
0x46: {  	v1 =	vld [tilespmem:s6+$0xFFFFFFA0];
	[tilespmem:s2+$0x30] =	vst v2  }
0x47: {  	v2 =	vld [tilespmem:s6+$0xFFFFFFB0];
	[tilespmem:s2+$0x40] =	vst v3  }
0x48: {  	v3 =	vld [tilespmem:s6+$0xFFFFFFC0];
	[tilespmem:s2+$0x50] =	vst v4  }
0x49: {  	v4 =	vld [tilespmem:s6+$0xFFFFFFD0];
	[tilespmem:s2+$0x60] =	vst v5  }
0x4a: {  	v5 =	vld [tilespmem:s6+$0xFFFFFFE0]  }
0x4b: {  	v7 =	vld [tilespmem:s6+$0xFFFFFFF0]  }
0x4c: {  	v6 =	vld.idx.msk [tilespmem:v6+s4+$0x0], $0xffff  }
0x4d: {  	v8 =	vld [tilespmem:s6+$0x0]  }
0x4e: {  	v9 =	vld [tilespmem:s6+$0x10]  }
0x4f: {  	v10 =	vld [tilespmem:s6+$0x20]  }
0x50: {  	v11 =	vld [tilespmem:s6+$0x30]  }
0x51: {  	s2 =	sadd.s32 $0x100, s2;
	v12 =	vld [tilespmem:s6+$0x40]  }
0x52: {  	v13 =	vld [tilespmem:s6+$0x50];
	[tilespmem:s2+$0x70] =	vst v6  }
0x53: {  	v6 =	vld [tilespmem:s6+$0x60]  }
0x54: {  	v14 =	vld [tilespmem:s6+$0xFFFFFF80]  }
0x55: {  	v0 =	vld.idx.msk [tilespmem:v0+s4+$0x0], $0xffff  }
0x56: {  	v1 =	vld.idx.msk [tilespmem:v1+s4+$0x0], $0xffff  }
0x57: {  	v2 =	vld.idx.msk [tilespmem:v2+s4+$0x0], $0xffff  }
0x58: {  	v3 =	vld.idx.msk [tilespmem:v3+s4+$0x0], $0xffff  }
0x59: {  	v4 =	vld.idx.msk [tilespmem:v4+s4+$0x0], $0xffff  }
0x5a: {  	v5 =	vld.idx.msk [tilespmem:v5+s4+$0x0], $0xffff  }
0x5b: {  	[tilespmem:s2+$0xFFFFFF90] =	vst v0;
	v7 =	vld.idx.msk [tilespmem:v7+s4+$0x0], $0xffff  }
0x5c: {  	v14 =	vld.idx.msk [tilespmem:v14+s4+$0x0], $0xffff;
	[tilespmem:s2+$0xFFFFFFA0] =	vst v1  }
0x5d: {  	[tilespmem:s2+$0xFFFFFFB0] =	vst v2;
	v8 =	vld.idx.msk [tilespmem:v8+s4+$0x0], $0xffff  }
0x5e: {  	[tilespmem:s2+$0xFFFFFFC0] =	vst v3;
	v0 =	vld.idx.msk [tilespmem:v9+s4+$0x0], $0xffff  }
.Ltmp0:
0x5f: {  	[tilespmem:s2+$0xFFFFFFD0] =	vst v4;
	v1 =	vld.idx.msk [tilespmem:v10+s4+$0x0], $0xffff;
	(pc) =	sbr.rel @p0 .LBB2_2-.Ltmp0, $4  }
0x60: {  	[tilespmem:s2+$0xFFFFFFE0] =	vst v5;
	v2 =	vld.idx.msk [tilespmem:v11+s4+$0x0], $0xffff  }
0x61: {  	[tilespmem:s2+$0xFFFFFFF0] =	vst v7;
	v3 =	vld.idx.msk [tilespmem:v12+s4+$0x0], $0xffff  }
0x62: {  	[tilespmem:s2+$0xFFFFFF80] =	vst v14;
	v4 =	vld.idx.msk [tilespmem:v13+s4+$0x0], $0xffff  }
0x63: {  	s6 =	sadd.s32 $0x100, s6;
	[tilespmem:s2+$0x0] =	vst v8;
	v5 =	vld.idx.msk [tilespmem:v6+s4+$0x0], $0xffff  }
0x64: {  	[tilespmem:s2+$0x10] =	vst v0  }
0x65: {  	[tilespmem:s2+$0x20] =	vst v1  }
0x66: {  	[tilespmem:s2+$0x30] =	vst v2  }
0x67: {  	[tilespmem:s2+$0x40] =	vst v3  }
0x68: {  	[tilespmem:s2+$0x50] =	vst v4  }
0x69: {  	[tilespmem:s2+$0x60] =	vst v5  }
0x6a: {  	[hbm4b:s7+s22] =	stream.strided.scatter [tilespmem:s29], [sflag:$0x4], $0x1000, s23, s22, $0x38;
	[tilespmem:$0x1C700] =	vst v63  }
0x6b: {  	_ =	swait.ge [sflag:s30], $0x1000  }
0x6c: {  	[sflag:s30] =	ssyncset.done $0x0  }
0x6d: {  	s6 =	simm.s32 $0x19780;
	[sflag:s30] =	ssyncadd.s32 $0xFFFFF000  }
0x6e: {  	[tilespmem:s24], [sflag:$0x2] =	stream.linear.gather [hbm4b:s8+s4], $0x1000, $0x38;
	[tilespmem:$0x1C700] =	vst v63  }
0x6f: {  	v0 =	vld [tilespmem:s6+$0x70]  }
0x70: {  	v1 =	vld [tilespmem:s6+$0xFFFFFF90]  }
0x71: {  	v2 =	vld [tilespmem:s6+$0xFFFFFFA0]  }
0x72: {  	v3 =	vld [tilespmem:s6+$0xFFFFFFB0]  }
0x73: {  	v4 =	vld [tilespmem:s6+$0xFFFFFFC0]  }
0x74: {  	v5 =	vld [tilespmem:s6+$0xFFFFFFD0]  }
0x75: {  	v6 =	vld [tilespmem:s6+$0xFFFFFFE0]  }
0x76: {  	v7 =	vld [tilespmem:s6+$0xFFFFFFF0]  }
0x77: {  	v8 =	vld [tilespmem:s6+$0x0]  }
0x78: {  	v9 =	vld [tilespmem:s6+$0x10]  }
0x79: {  	v10 =	vld [tilespmem:s6+$0x20]  }
0x7a: {  	v11 =	vld [tilespmem:s6+$0x30]  }
0x7b: {  	v12 =	vld [tilespmem:s6+$0x40]  }
0x7c: {  	v13 =	vld [tilespmem:s6+$0x50]  }
0x7d: {  	v14 =	vld [tilespmem:s6+$0x60]  }
0x7e: {  	v15 =	vld [tilespmem:s6+$0xFFFFFF80]  }
0x7f: {  	v0 =	vld.idx.msk [tilespmem:v0+s4+$0x0], $0xffff  }
0x80: {  	v1 =	vld.idx.msk [tilespmem:v1+s4+$0x0], $0xffff  }
0x81: {  	v2 =	vld.idx.msk [tilespmem:v2+s4+$0x0], $0xffff  }
0x82: {  	v3 =	vld.idx.msk [tilespmem:v3+s4+$0x0], $0xffff  }
0x83: {  	v4 =	vld.idx.msk [tilespmem:v4+s4+$0x0], $0xffff  }
0x84: {  	s2 =	simm.s32 $0x1B780;
	v5 =	vld.idx.msk [tilespmem:v5+s4+$0x0], $0xffff  }
0x85: {  	v6 =	vld.idx.msk [tilespmem:v6+s4+$0x0], $0xffff;
	[tilespmem:s2+$0x70] =	vst v0  }
0x86: {  	v7 =	vld.idx.msk [tilespmem:v7+s4+$0x0], $0xffff;
	[tilespmem:s2+$0xFFFFFF90] =	vst v1  }
0x87: {  	v15 =	vld.idx.msk [tilespmem:v15+s4+$0x0], $0xffff;
	[tilespmem:s2+$0xFFFFFFA0] =	vst v2  }
0x88: {  	v8 =	vld.idx.msk [tilespmem:v8+s4+$0x0], $0xffff;
	[tilespmem:s2+$0xFFFFFFB0] =	vst v3  }
0x89: {  	[tilespmem:s2+$0xFFFFFFC0] =	vst v4;
	v0 =	vld.idx.msk [tilespmem:v9+s4+$0x0], $0xffff  }
0x8a: {  	[tilespmem:s2+$0xFFFFFFD0] =	vst v5;
	v1 =	vld.idx.msk [tilespmem:v10+s4+$0x0], $0xffff  }
0x8b: {  	[tilespmem:s2+$0xFFFFFFE0] =	vst v6;
	v2 =	vld.idx.msk [tilespmem:v11+s4+$0x0], $0xffff  }
0x8c: {  	[tilespmem:s2+$0xFFFFFFF0] =	vst v7;
	v3 =	vld.idx.msk [tilespmem:v12+s4+$0x0], $0xffff  }
0x8d: {  	[tilespmem:s2+$0xFFFFFF80] =	vst v15;
	v4 =	vld.idx.msk [tilespmem:v13+s4+$0x0], $0xffff  }
0x8e: {  	s5 =	simm.s32 $0x0;
	s6 =	simm.s32 $0x19880;
	[tilespmem:s2+$0x0] =	vst v8;
	v5 =	vld.idx.msk [tilespmem:v14+s4+$0x0], $0xffff  }
.LBB2_4:
0x8f: {  	v6 =	vld [tilespmem:s6+$0x70];
	s5 =	sadd.s32 $0x100, s5;
	[tilespmem:s2+$0x10] =	vst v0  }
0x90: {  	v0 =	vld [tilespmem:s6+$0xFFFFFF90];
	p0 =	slt.u32 s5, $0xF00;
	[tilespmem:s2+$0x20] =	vst v1  }
0x91: {  	v1 =	vld [tilespmem:s6+$0xFFFFFFA0];
	[tilespmem:s2+$0x30] =	vst v2  }
0x92: {  	v2 =	vld [tilespmem:s6+$0xFFFFFFB0];
	[tilespmem:s2+$0x40] =	vst v3  }
0x93: {  	v3 =	vld [tilespmem:s6+$0xFFFFFFC0];
	[tilespmem:s2+$0x50] =	vst v4  }
0x94: {  	v4 =	vld [tilespmem:s6+$0xFFFFFFD0];
	[tilespmem:s2+$0x60] =	vst v5  }
0x95: {  	v5 =	vld [tilespmem:s6+$0xFFFFFFE0]  }
0x96: {  	v7 =	vld [tilespmem:s6+$0xFFFFFFF0]  }
0x97: {  	v6 =	vld.idx.msk [tilespmem:v6+s4+$0x0], $0xffff  }
0x98: {  	v8 =	vld [tilespmem:s6+$0x0]  }
0x99: {  	v9 =	vld [tilespmem:s6+$0x10]  }
0x9a: {  	v10 =	vld [tilespmem:s6+$0x20]  }
0x9b: {  	v11 =	vld [tilespmem:s6+$0x30]  }
0x9c: {  	s2 =	sadd.s32 $0x100, s2;
	v12 =	vld [tilespmem:s6+$0x40]  }
0x9d: {  	v13 =	vld [tilespmem:s6+$0x50];
	[tilespmem:s2+$0x70] =	vst v6  }
0x9e: {  	v6 =	vld [tilespmem:s6+$0x60]  }
0x9f: {  	v14 =	vld [tilespmem:s6+$0xFFFFFF80]  }
0xa0: {  	v0 =	vld.idx.msk [tilespmem:v0+s4+$0x0], $0xffff  }
0xa1: {  	v1 =	vld.idx.msk [tilespmem:v1+s4+$0x0], $0xffff  }
0xa2: {  	v2 =	vld.idx.msk [tilespmem:v2+s4+$0x0], $0xffff  }
0xa3: {  	v3 =	vld.idx.msk [tilespmem:v3+s4+$0x0], $0xffff  }
0xa4: {  	v4 =	vld.idx.msk [tilespmem:v4+s4+$0x0], $0xffff  }
0xa5: {  	v5 =	vld.idx.msk [tilespmem:v5+s4+$0x0], $0xffff  }
0xa6: {  	[tilespmem:s2+$0xFFFFFF90] =	vst v0;
	v7 =	vld.idx.msk [tilespmem:v7+s4+$0x0], $0xffff  }
0xa7: {  	v14 =	vld.idx.msk [tilespmem:v14+s4+$0x0], $0xffff;
	[tilespmem:s2+$0xFFFFFFA0] =	vst v1  }
0xa8: {  	[tilespmem:s2+$0xFFFFFFB0] =	vst v2;
	v8 =	vld.idx.msk [tilespmem:v8+s4+$0x0], $0xffff  }
0xa9: {  	[tilespmem:s2+$0xFFFFFFC0] =	vst v3;
	v0 =	vld.idx.msk [tilespmem:v9+s4+$0x0], $0xffff  }
.Ltmp1:
0xaa: {  	[tilespmem:s2+$0xFFFFFFD0] =	vst v4;
	v1 =	vld.idx.msk [tilespmem:v10+s4+$0x0], $0xffff;
	(pc) =	sbr.rel @p0 .LBB2_4-.Ltmp1, $4  }
0xab: {  	[tilespmem:s2+$0xFFFFFFE0] =	vst v5;
	v2 =	vld.idx.msk [tilespmem:v11+s4+$0x0], $0xffff  }
0xac: {  	[tilespmem:s2+$0xFFFFFFF0] =	vst v7;
	v3 =	vld.idx.msk [tilespmem:v12+s4+$0x0], $0xffff  }
0xad: {  	[tilespmem:s2+$0xFFFFFF80] =	vst v14;
	v4 =	vld.idx.msk [tilespmem:v13+s4+$0x0], $0xffff  }
0xae: {  	s6 =	sadd.s32 $0x100, s6;
	[tilespmem:s2+$0x0] =	vst v8;
	v5 =	vld.idx.msk [tilespmem:v6+s4+$0x0], $0xffff  }
0xaf: {  	[tilespmem:s2+$0x10] =	vst v0  }
0xb0: {  	[tilespmem:s2+$0x20] =	vst v1  }
0xb1: {  	[tilespmem:s2+$0x30] =	vst v2  }
0xb2: {  	[tilespmem:s2+$0x40] =	vst v3  }
0xb3: {  	[tilespmem:s2+$0x50] =	vst v4  }
0xb4: {  	[tilespmem:s2+$0x60] =	vst v5  }
0xb5: {  	[hbm4b:s9+s22] =	stream.strided.scatter [tilespmem:s31], [sflag:$0x5], $0x1000, s23, s22, $0x38;
	[tilespmem:$0x1C700] =	vst v63  }
0xb6: {  	_ =	swait.ge [sflag:s25], $0x1000  }
0xb7: {  	[sflag:s25] =	ssyncset.done $0x0  }
0xb8: {  	[sflag:s25] =	ssyncadd.s32 $0xFFFFF000  }
0xb9: {  	[tilespmem:s26], [sflag:$0x3] =	stream.linear.gather [hbm4b:s10+s4], $0x1000, $0x38;
	[tilespmem:$0x1C700] =	vst v63  }
0xba: {  	_ =	swait.ge [sflag:s0], $0x1000  }
0xbb: {  	[sflag:s0] =	ssyncset.done $0x0  }
0xbc: {  	s6 =	simm.s32 $0x18780;
	[sflag:s0] =	ssyncadd.s32 $0xFFFFF000  }
0xbd: {  	v0 =	vld [tilespmem:s6+$0x70]  }
0xbe: {  	v1 =	vld [tilespmem:s6+$0xFFFFFF90]  }
0xbf: {  	v2 =	vld [tilespmem:s6+$0xFFFFFFA0]  }
0xc0: {  	v3 =	vld [tilespmem:s6+$0xFFFFFFB0]  }
0xc1: {  	v4 =	vld [tilespmem:s6+$0xFFFFFFC0]  }
0xc2: {  	v5 =	vld [tilespmem:s6+$0xFFFFFFD0]  }
0xc3: {  	v6 =	vld [tilespmem:s6+$0xFFFFFFE0]  }
0xc4: {  	v7 =	vld [tilespmem:s6+$0xFFFFFFF0]  }
0xc5: {  	v8 =	vld [tilespmem:s6+$0x0]  }
0xc6: {  	v9 =	vld [tilespmem:s6+$0x10]  }
0xc7: {  	v10 =	vld [tilespmem:s6+$0x20]  }
0xc8: {  	v11 =	vld [tilespmem:s6+$0x30]  }
0xc9: {  	v12 =	vld [tilespmem:s6+$0x40]  }
0xca: {  	v13 =	vld [tilespmem:s6+$0x50]  }
0xcb: {  	v14 =	vld [tilespmem:s6+$0x60]  }
0xcc: {  	v15 =	vld [tilespmem:s6+$0xFFFFFF80]  }
0xcd: {  	v0 =	vld.idx.msk [tilespmem:v0+s4+$0x0], $0xffff  }
0xce: {  	v1 =	vld.idx.msk [tilespmem:v1+s4+$0x0], $0xffff  }
0xcf: {  	v2 =	vld.idx.msk [tilespmem:v2+s4+$0x0], $0xffff  }
0xd0: {  	v3 =	vld.idx.msk [tilespmem:v3+s4+$0x0], $0xffff  }
0xd1: {  	v4 =	vld.idx.msk [tilespmem:v4+s4+$0x0], $0xffff  }
0xd2: {  	s2 =	simm.s32 $0x1A780;
	v5 =	vld.idx.msk [tilespmem:v5+s4+$0x0], $0xffff  }
0xd3: {  	v6 =	vld.idx.msk [tilespmem:v6+s4+$0x0], $0xffff;
	[tilespmem:s2+$0x70] =	vst v0  }
0xd4: {  	v7 =	vld.idx.msk [tilespmem:v7+s4+$0x0], $0xffff;
	[tilespmem:s2+$0xFFFFFF90] =	vst v1  }
0xd5: {  	v15 =	vld.idx.msk [tilespmem:v15+s4+$0x0], $0xffff;
	[tilespmem:s2+$0xFFFFFFA0] =	vst v2  }
0xd6: {  	v8 =	vld.idx.msk [tilespmem:v8+s4+$0x0], $0xffff;
	[tilespmem:s2+$0xFFFFFFB0] =	vst v3  }
0xd7: {  	[tilespmem:s2+$0xFFFFFFC0] =	vst v4;
	v0 =	vld.idx.msk [tilespmem:v9+s4+$0x0], $0xffff  }
0xd8: {  	[tilespmem:s2+$0xFFFFFFD0] =	vst v5;
	v1 =	vld.idx.msk [tilespmem:v10+s4+$0x0], $0xffff  }
0xd9: {  	[tilespmem:s2+$0xFFFFFFE0] =	vst v6;
	v2 =	vld.idx.msk [tilespmem:v11+s4+$0x0], $0xffff  }
0xda: {  	[tilespmem:s2+$0xFFFFFFF0] =	vst v7;
	v3 =	vld.idx.msk [tilespmem:v12+s4+$0x0], $0xffff  }
0xdb: {  	[tilespmem:s2+$0xFFFFFF80] =	vst v15;
	v4 =	vld.idx.msk [tilespmem:v13+s4+$0x0], $0xffff  }
0xdc: {  	s5 =	simm.s32 $0x0;
	s6 =	simm.s32 $0x18880;
	[tilespmem:s2+$0x0] =	vst v8;
	v5 =	vld.idx.msk [tilespmem:v14+s4+$0x0], $0xffff  }
.LBB2_6:
0xdd: {  	v6 =	vld [tilespmem:s6+$0x70];
	s5 =	sadd.s32 $0x100, s5;
	[tilespmem:s2+$0x10] =	vst v0  }
0xde: {  	v0 =	vld [tilespmem:s6+$0xFFFFFF90];
	p0 =	slt.u32 s5, $0xF00;
	[tilespmem:s2+$0x20] =	vst v1  }
0xdf: {  	v1 =	vld [tilespmem:s6+$0xFFFFFFA0];
	[tilespmem:s2+$0x30] =	vst v2  }
0xe0: {  	v2 =	vld [tilespmem:s6+$0xFFFFFFB0];
	[tilespmem:s2+$0x40] =	vst v3  }
0xe1: {  	v3 =	vld [tilespmem:s6+$0xFFFFFFC0];
	[tilespmem:s2+$0x50] =	vst v4  }
0xe2: {  	v4 =	vld [tilespmem:s6+$0xFFFFFFD0];
	[tilespmem:s2+$0x60] =	vst v5  }
0xe3: {  	v5 =	vld [tilespmem:s6+$0xFFFFFFE0]  }
0xe4: {  	v7 =	vld [tilespmem:s6+$0xFFFFFFF0]  }
0xe5: {  	v6 =	vld.idx.msk [tilespmem:v6+s4+$0x0], $0xffff  }
0xe6: {  	v8 =	vld [tilespmem:s6+$0x0]  }
0xe7: {  	v9 =	vld [tilespmem:s6+$0x10]  }
0xe8: {  	v10 =	vld [tilespmem:s6+$0x20]  }
0xe9: {  	v11 =	vld [tilespmem:s6+$0x30]  }
0xea: {  	s2 =	sadd.s32 $0x100, s2;
	v12 =	vld [tilespmem:s6+$0x40]  }
0xeb: {  	v13 =	vld [tilespmem:s6+$0x50];
	[tilespmem:s2+$0x70] =	vst v6  }
0xec: {  	v6 =	vld [tilespmem:s6+$0x60]  }
0xed: {  	v14 =	vld [tilespmem:s6+$0xFFFFFF80]  }
0xee: {  	v0 =	vld.idx.msk [tilespmem:v0+s4+$0x0], $0xffff  }
0xef: {  	v1 =	vld.idx.msk [tilespmem:v1+s4+$0x0], $0xffff  }
0xf0: {  	v2 =	vld.idx.msk [tilespmem:v2+s4+$0x0], $0xffff  }
0xf1: {  	v3 =	vld.idx.msk [tilespmem:v3+s4+$0x0], $0xffff  }
0xf2: {  	v4 =	vld.idx.msk [tilespmem:v4+s4+$0x0], $0xffff  }
0xf3: {  	v5 =	vld.idx.msk [tilespmem:v5+s4+$0x0], $0xffff  }
0xf4: {  	[tilespmem:s2+$0xFFFFFF90] =	vst v0;
	v7 =	vld.idx.msk [tilespmem:v7+s4+$0x0], $0xffff  }
0xf5: {  	v14 =	vld.idx.msk [tilespmem:v14+s4+$0x0], $0xffff;
	[tilespmem:s2+$0xFFFFFFA0] =	vst v1  }
0xf6: {  	[tilespmem:s2+$0xFFFFFFB0] =	vst v2;
	v8 =	vld.idx.msk [tilespmem:v8+s4+$0x0], $0xffff  }
0xf7: {  	[tilespmem:s2+$0xFFFFFFC0] =	vst v3;
	v0 =	vld.idx.msk [tilespmem:v9+s4+$0x0], $0xffff  }
.Ltmp2:
0xf8: {  	[tilespmem:s2+$0xFFFFFFD0] =	vst v4;
	v1 =	vld.idx.msk [tilespmem:v10+s4+$0x0], $0xffff;
	(pc) =	sbr.rel @p0 .LBB2_6-.Ltmp2, $4  }
0xf9: {  	[tilespmem:s2+$0xFFFFFFE0] =	vst v5;
	v2 =	vld.idx.msk [tilespmem:v11+s4+$0x0], $0xffff  }
0xfa: {  	[tilespmem:s2+$0xFFFFFFF0] =	vst v7;
	v3 =	vld.idx.msk [tilespmem:v12+s4+$0x0], $0xffff  }
0xfb: {  	[tilespmem:s2+$0xFFFFFF80] =	vst v14;
	v4 =	vld.idx.msk [tilespmem:v13+s4+$0x0], $0xffff  }
0xfc: {  	s6 =	sadd.s32 $0x100, s6;
	[tilespmem:s2+$0x0] =	vst v8;
	v5 =	vld.idx.msk [tilespmem:v6+s4+$0x0], $0xffff  }
0xfd: {  	[tilespmem:s2+$0x10] =	vst v0  }
0xfe: {  	[tilespmem:s2+$0x20] =	vst v1  }
0xff: {  	[tilespmem:s2+$0x30] =	vst v2  }
0x100: {  	[tilespmem:s2+$0x40] =	vst v3  }
0x101: {  	[tilespmem:s2+$0x50] =	vst v4  }
0x102: {  	[tilespmem:s2+$0x60] =	vst v5  }
0x103: {  	[hbm4b:s11+s22] =	stream.strided.scatter [tilespmem:s29], [sflag:$0x4], $0x1000, s23, s22, $0x38;
	[tilespmem:$0x1C700] =	vst v63  }
0x104: {  	_ =	swait.ge [sflag:s30], $0x1000  }
0x105: {  	[sflag:s30] =	ssyncset.done $0x0  }
0x106: {  	[sflag:s30] =	ssyncadd.s32 $0xFFFFF000  }
0x107: {  	s5 =	rddreg [dreg:$0x3]  }
0x108: {  	[tilespmem:s24], [sflag:$0x2] =	stream.linear.gather [hbm4b:s5+s4], $0x1000, $0x38;
	[tilespmem:$0x1C700] =	vst v63  }
0x109: {  	_ =	swait.ge [sflag:s3], $0x1000  }
0x10a: {  	[sflag:s3] =	ssyncset.done $0x0  }
0x10b: {  	s6 =	simm.s32 $0x19780;
	[sflag:s3] =	ssyncadd.s32 $0xFFFFF000  }
0x10c: {  	v0 =	vld [tilespmem:s6+$0x70]  }
0x10d: {  	v1 =	vld [tilespmem:s6+$0xFFFFFF90]  }
0x10e: {  	v2 =	vld [tilespmem:s6+$0xFFFFFFA0]  }
0x10f: {  	v3 =	vld [tilespmem:s6+$0xFFFFFFB0]  }
0x110: {  	v4 =	vld [tilespmem:s6+$0xFFFFFFC0]  }
0x111: {  	v5 =	vld [tilespmem:s6+$0xFFFFFFD0]  }
0x112: {  	v6 =	vld [tilespmem:s6+$0xFFFFFFE0]  }
0x113: {  	v7 =	vld [tilespmem:s6+$0xFFFFFFF0]  }
0x114: {  	v8 =	vld [tilespmem:s6+$0x0]  }
0x115: {  	v9 =	vld [tilespmem:s6+$0x10]  }
0x116: {  	v10 =	vld [tilespmem:s6+$0x20]  }
0x117: {  	v11 =	vld [tilespmem:s6+$0x30]  }
0x118: {  	v12 =	vld [tilespmem:s6+$0x40]  }
0x119: {  	v13 =	vld [tilespmem:s6+$0x50]  }
0x11a: {  	v14 =	vld [tilespmem:s6+$0x60]  }
0x11b: {  	v15 =	vld [tilespmem:s6+$0xFFFFFF80]  }
0x11c: {  	v0 =	vld.idx.msk [tilespmem:v0+s4+$0x0], $0xffff  }
0x11d: {  	v1 =	vld.idx.msk [tilespmem:v1+s4+$0x0], $0xffff  }
0x11e: {  	v2 =	vld.idx.msk [tilespmem:v2+s4+$0x0], $0xffff  }
0x11f: {  	v3 =	vld.idx.msk [tilespmem:v3+s4+$0x0], $0xffff  }
0x120: {  	v4 =	vld.idx.msk [tilespmem:v4+s4+$0x0], $0xffff  }
0x121: {  	s2 =	simm.s32 $0x1B780;
	v5 =	vld.idx.msk [tilespmem:v5+s4+$0x0], $0xffff  }
0x122: {  	v6 =	vld.idx.msk [tilespmem:v6+s4+$0x0], $0xffff;
	[tilespmem:s2+$0x70] =	vst v0  }
0x123: {  	v7 =	vld.idx.msk [tilespmem:v7+s4+$0x0], $0xffff;
	[tilespmem:s2+$0xFFFFFF90] =	vst v1  }
0x124: {  	v15 =	vld.idx.msk [tilespmem:v15+s4+$0x0], $0xffff;
	[tilespmem:s2+$0xFFFFFFA0] =	vst v2  }
0x125: {  	v8 =	vld.idx.msk [tilespmem:v8+s4+$0x0], $0xffff;
	[tilespmem:s2+$0xFFFFFFB0] =	vst v3  }
0x126: {  	[tilespmem:s2+$0xFFFFFFC0] =	vst v4;
	v0 =	vld.idx.msk [tilespmem:v9+s4+$0x0], $0xffff  }
0x127: {  	[tilespmem:s2+$0xFFFFFFD0] =	vst v5;
	v1 =	vld.idx.msk [tilespmem:v10+s4+$0x0], $0xffff  }
0x128: {  	[tilespmem:s2+$0xFFFFFFE0] =	vst v6;
	v2 =	vld.idx.msk [tilespmem:v11+s4+$0x0], $0xffff  }
0x129: {  	[tilespmem:s2+$0xFFFFFFF0] =	vst v7;
	v3 =	vld.idx.msk [tilespmem:v12+s4+$0x0], $0xffff  }
0x12a: {  	[tilespmem:s2+$0xFFFFFF80] =	vst v15;
	v4 =	vld.idx.msk [tilespmem:v13+s4+$0x0], $0xffff  }
0x12b: {  	s5 =	simm.s32 $0x0;
	s6 =	simm.s32 $0x19880;
	[tilespmem:s2+$0x0] =	vst v8;
	v5 =	vld.idx.msk [tilespmem:v14+s4+$0x0], $0xffff  }
.LBB2_8:
0x12c: {  	v6 =	vld [tilespmem:s6+$0x70];
	s5 =	sadd.s32 $0x100, s5;
	[tilespmem:s2+$0x10] =	vst v0  }
0x12d: {  	v0 =	vld [tilespmem:s6+$0xFFFFFF90];
	p0 =	slt.u32 s5, $0xF00;
	[tilespmem:s2+$0x20] =	vst v1  }
0x12e: {  	v1 =	vld [tilespmem:s6+$0xFFFFFFA0];
	[tilespmem:s2+$0x30] =	vst v2  }
0x12f: {  	v2 =	vld [tilespmem:s6+$0xFFFFFFB0];
	[tilespmem:s2+$0x40] =	vst v3  }
0x130: {  	v3 =	vld [tilespmem:s6+$0xFFFFFFC0];
	[tilespmem:s2+$0x50] =	vst v4  }
0x131: {  	v4 =	vld [tilespmem:s6+$0xFFFFFFD0];
	[tilespmem:s2+$0x60] =	vst v5  }
0x132: {  	v5 =	vld [tilespmem:s6+$0xFFFFFFE0]  }
0x133: {  	v7 =	vld [tilespmem:s6+$0xFFFFFFF0]  }
0x134: {  	v6 =	vld.idx.msk [tilespmem:v6+s4+$0x0], $0xffff  }
0x135: {  	v8 =	vld [tilespmem:s6+$0x0]  }
0x136: {  	v9 =	vld [tilespmem:s6+$0x10]  }
0x137: {  	v10 =	vld [tilespmem:s6+$0x20]  }
0x138: {  	v11 =	vld [tilespmem:s6+$0x30]  }
0x139: {  	s2 =	sadd.s32 $0x100, s2;
	v12 =	vld [tilespmem:s6+$0x40]  }
0x13a: {  	v13 =	vld [tilespmem:s6+$0x50];
	[tilespmem:s2+$0x70] =	vst v6  }
0x13b: {  	v6 =	vld [tilespmem:s6+$0x60]  }
0x13c: {  	v14 =	vld [tilespmem:s6+$0xFFFFFF80]  }
0x13d: {  	v0 =	vld.idx.msk [tilespmem:v0+s4+$0x0], $0xffff  }
0x13e: {  	v1 =	vld.idx.msk [tilespmem:v1+s4+$0x0], $0xffff  }
0x13f: {  	v2 =	vld.idx.msk [tilespmem:v2+s4+$0x0], $0xffff  }
0x140: {  	v3 =	vld.idx.msk [tilespmem:v3+s4+$0x0], $0xffff  }
0x141: {  	v4 =	vld.idx.msk [tilespmem:v4+s4+$0x0], $0xffff  }
0x142: {  	v5 =	vld.idx.msk [tilespmem:v5+s4+$0x0], $0xffff  }
0x143: {  	[tilespmem:s2+$0xFFFFFF90] =	vst v0;
	v7 =	vld.idx.msk [tilespmem:v7+s4+$0x0], $0xffff  }
0x144: {  	v14 =	vld.idx.msk [tilespmem:v14+s4+$0x0], $0xffff;
	[tilespmem:s2+$0xFFFFFFA0] =	vst v1  }
0x145: {  	[tilespmem:s2+$0xFFFFFFB0] =	vst v2;
	v8 =	vld.idx.msk [tilespmem:v8+s4+$0x0], $0xffff  }
0x146: {  	[tilespmem:s2+$0xFFFFFFC0] =	vst v3;
	v0 =	vld.idx.msk [tilespmem:v9+s4+$0x0], $0xffff  }
.Ltmp3:
0x147: {  	[tilespmem:s2+$0xFFFFFFD0] =	vst v4;
	v1 =	vld.idx.msk [tilespmem:v10+s4+$0x0], $0xffff;
	(pc) =	sbr.rel @p0 .LBB2_8-.Ltmp3, $4  }
0x148: {  	[tilespmem:s2+$0xFFFFFFE0] =	vst v5;
	v2 =	vld.idx.msk [tilespmem:v11+s4+$0x0], $0xffff  }
0x149: {  	[tilespmem:s2+$0xFFFFFFF0] =	vst v7;
	v3 =	vld.idx.msk [tilespmem:v12+s4+$0x0], $0xffff  }
0x14a: {  	[tilespmem:s2+$0xFFFFFF80] =	vst v14;
	v4 =	vld.idx.msk [tilespmem:v13+s4+$0x0], $0xffff  }
0x14b: {  	s6 =	sadd.s32 $0x100, s6;
	[tilespmem:s2+$0x0] =	vst v8;
	v5 =	vld.idx.msk [tilespmem:v6+s4+$0x0], $0xffff  }
0x14c: {  	[tilespmem:s2+$0x10] =	vst v0  }
0x14d: {  	[tilespmem:s2+$0x20] =	vst v1  }
0x14e: {  	[tilespmem:s2+$0x30] =	vst v2  }
0x14f: {  	[tilespmem:s2+$0x40] =	vst v3  }
0x150: {  	[tilespmem:s2+$0x50] =	vst v4  }
0x151: {  	[tilespmem:s2+$0x60] =	vst v5  }
0x152: {  	[hbm4b:s12+s22] =	stream.strided.scatter [tilespmem:s31], [sflag:$0x5], $0x1000, s23, s22, $0x38;
	[tilespmem:$0x1C700] =	vst v63  }
0x153: {  	_ = 	snop  }
0x154: {  	[tilespmem:s4], [sflag:$0x1] =	stream.strided.gather [hbm4b:s13+s22], $0x18700, s23, s22, $0x38;
	[tilespmem:$0x1C700] =	vst v63  }
0x155: {  	_ =	swait.ge [sflag:s25], $0x1000  }
0x156: {  	[sflag:s25] =	ssyncset.done $0x0  }
0x157: {  	[sflag:s25] =	ssyncadd.s32 $0xFFFFF000  }
0x158: {  	[tilespmem:s26], [sflag:$0x3] =	stream.linear.gather [hbm4b:s14+s4], $0x1000, $0x38;
	[tilespmem:$0x1C700] =	vst v63  }
0x159: {  	_ =	swait.ge [sflag:s28], $0x18700  }
0x15a: {  	[sflag:s28] =	ssyncset.done $0x0  }
0x15b: {  	[sflag:s28] =	ssyncadd.s32 $0xFFFE7900  }
0x15c: {  	_ =	swait.ge [sflag:s0], $0x1000  }
0x15d: {  	[sflag:s0] =	ssyncset.done $0x0  }
0x15e: {  	s6 =	simm.s32 $0x18780;
	[sflag:s0] =	ssyncadd.s32 $0xFFFFF000  }
0x15f: {  	v0 =	vld [tilespmem:s6+$0x70]  }
0x160: {  	v1 =	vld [tilespmem:s6+$0xFFFFFF90]  }
0x161: {  	v2 =	vld [tilespmem:s6+$0xFFFFFFA0]  }
0x162: {  	v3 =	vld [tilespmem:s6+$0xFFFFFFB0]  }
0x163: {  	v4 =	vld [tilespmem:s6+$0xFFFFFFC0]  }
0x164: {  	v5 =	vld [tilespmem:s6+$0xFFFFFFD0]  }
0x165: {  	v6 =	vld [tilespmem:s6+$0xFFFFFFE0]  }
0x166: {  	v7 =	vld [tilespmem:s6+$0xFFFFFFF0]  }
0x167: {  	v8 =	vld [tilespmem:s6+$0x0]  }
0x168: {  	v9 =	vld [tilespmem:s6+$0x10]  }
0x169: {  	v10 =	vld [tilespmem:s6+$0x20]  }
0x16a: {  	v11 =	vld [tilespmem:s6+$0x30]  }
0x16b: {  	v12 =	vld [tilespmem:s6+$0x40]  }
0x16c: {  	v13 =	vld [tilespmem:s6+$0x50]  }
0x16d: {  	v14 =	vld [tilespmem:s6+$0x60]  }
0x16e: {  	v15 =	vld [tilespmem:s6+$0xFFFFFF80]  }
0x16f: {  	v0 =	vld.idx.msk [tilespmem:v0+s4+$0x0], $0xffff  }
0x170: {  	v1 =	vld.idx.msk [tilespmem:v1+s4+$0x0], $0xffff  }
0x171: {  	v2 =	vld.idx.msk [tilespmem:v2+s4+$0x0], $0xffff  }
0x172: {  	v3 =	vld.idx.msk [tilespmem:v3+s4+$0x0], $0xffff  }
0x173: {  	v4 =	vld.idx.msk [tilespmem:v4+s4+$0x0], $0xffff  }
0x174: {  	s2 =	simm.s32 $0x1A780;
	v5 =	vld.idx.msk [tilespmem:v5+s4+$0x0], $0xffff  }
0x175: {  	v6 =	vld.idx.msk [tilespmem:v6+s4+$0x0], $0xffff;
	[tilespmem:s2+$0x70] =	vst v0  }
0x176: {  	v7 =	vld.idx.msk [tilespmem:v7+s4+$0x0], $0xffff;
	[tilespmem:s2+$0xFFFFFF90] =	vst v1  }
0x177: {  	v15 =	vld.idx.msk [tilespmem:v15+s4+$0x0], $0xffff;
	[tilespmem:s2+$0xFFFFFFA0] =	vst v2  }
0x178: {  	v8 =	vld.idx.msk [tilespmem:v8+s4+$0x0], $0xffff;
	[tilespmem:s2+$0xFFFFFFB0] =	vst v3  }
0x179: {  	[tilespmem:s2+$0xFFFFFFC0] =	vst v4;
	v0 =	vld.idx.msk [tilespmem:v9+s4+$0x0], $0xffff  }
0x17a: {  	[tilespmem:s2+$0xFFFFFFD0] =	vst v5;
	v1 =	vld.idx.msk [tilespmem:v10+s4+$0x0], $0xffff  }
0x17b: {  	[tilespmem:s2+$0xFFFFFFE0] =	vst v6;
	v2 =	vld.idx.msk [tilespmem:v11+s4+$0x0], $0xffff  }
0x17c: {  	[tilespmem:s2+$0xFFFFFFF0] =	vst v7;
	v3 =	vld.idx.msk [tilespmem:v12+s4+$0x0], $0xffff  }
0x17d: {  	[tilespmem:s2+$0xFFFFFF80] =	vst v15;
	v4 =	vld.idx.msk [tilespmem:v13+s4+$0x0], $0xffff  }
0x17e: {  	s5 =	simm.s32 $0x0;
	s6 =	simm.s32 $0x18880;
	[tilespmem:s2+$0x0] =	vst v8;
	v5 =	vld.idx.msk [tilespmem:v14+s4+$0x0], $0xffff  }
.LBB2_10:
0x17f: {  	v6 =	vld [tilespmem:s6+$0x70];
	s5 =	sadd.s32 $0x100, s5;
	[tilespmem:s2+$0x10] =	vst v0  }
0x180: {  	v0 =	vld [tilespmem:s6+$0xFFFFFF90];
	p0 =	slt.u32 s5, $0xF00;
	[tilespmem:s2+$0x20] =	vst v1  }
0x181: {  	v1 =	vld [tilespmem:s6+$0xFFFFFFA0];
	[tilespmem:s2+$0x30] =	vst v2  }
0x182: {  	v2 =	vld [tilespmem:s6+$0xFFFFFFB0];
	[tilespmem:s2+$0x40] =	vst v3  }
0x183: {  	v3 =	vld [tilespmem:s6+$0xFFFFFFC0];
	[tilespmem:s2+$0x50] =	vst v4  }
0x184: {  	v4 =	vld [tilespmem:s6+$0xFFFFFFD0];
	[tilespmem:s2+$0x60] =	vst v5  }
0x185: {  	v5 =	vld [tilespmem:s6+$0xFFFFFFE0]  }
0x186: {  	v7 =	vld [tilespmem:s6+$0xFFFFFFF0]  }
0x187: {  	v6 =	vld.idx.msk [tilespmem:v6+s4+$0x0], $0xffff  }
0x188: {  	v8 =	vld [tilespmem:s6+$0x0]  }
0x189: {  	v9 =	vld [tilespmem:s6+$0x10]  }
0x18a: {  	v10 =	vld [tilespmem:s6+$0x20]  }
0x18b: {  	v11 =	vld [tilespmem:s6+$0x30]  }
0x18c: {  	s2 =	sadd.s32 $0x100, s2;
	v12 =	vld [tilespmem:s6+$0x40]  }
0x18d: {  	v13 =	vld [tilespmem:s6+$0x50];
	[tilespmem:s2+$0x70] =	vst v6  }
0x18e: {  	v6 =	vld [tilespmem:s6+$0x60]  }
0x18f: {  	v14 =	vld [tilespmem:s6+$0xFFFFFF80]  }
0x190: {  	v0 =	vld.idx.msk [tilespmem:v0+s4+$0x0], $0xffff  }
0x191: {  	v1 =	vld.idx.msk [tilespmem:v1+s4+$0x0], $0xffff  }
0x192: {  	v2 =	vld.idx.msk [tilespmem:v2+s4+$0x0], $0xffff  }
0x193: {  	v3 =	vld.idx.msk [tilespmem:v3+s4+$0x0], $0xffff  }
0x194: {  	v4 =	vld.idx.msk [tilespmem:v4+s4+$0x0], $0xffff  }
0x195: {  	v5 =	vld.idx.msk [tilespmem:v5+s4+$0x0], $0xffff  }
0x196: {  	[tilespmem:s2+$0xFFFFFF90] =	vst v0;
	v7 =	vld.idx.msk [tilespmem:v7+s4+$0x0], $0xffff  }
0x197: {  	v14 =	vld.idx.msk [tilespmem:v14+s4+$0x0], $0xffff;
	[tilespmem:s2+$0xFFFFFFA0] =	vst v1  }
0x198: {  	[tilespmem:s2+$0xFFFFFFB0] =	vst v2;
	v8 =	vld.idx.msk [tilespmem:v8+s4+$0x0], $0xffff  }
0x199: {  	[tilespmem:s2+$0xFFFFFFC0] =	vst v3;
	v0 =	vld.idx.msk [tilespmem:v9+s4+$0x0], $0xffff  }
.Ltmp4:
0x19a: {  	[tilespmem:s2+$0xFFFFFFD0] =	vst v4;
	v1 =	vld.idx.msk [tilespmem:v10+s4+$0x0], $0xffff;
	(pc) =	sbr.rel @p0 .LBB2_10-.Ltmp4, $4  }
0x19b: {  	[tilespmem:s2+$0xFFFFFFE0] =	vst v5;
	v2 =	vld.idx.msk [tilespmem:v11+s4+$0x0], $0xffff  }
0x19c: {  	[tilespmem:s2+$0xFFFFFFF0] =	vst v7;
	v3 =	vld.idx.msk [tilespmem:v12+s4+$0x0], $0xffff  }
0x19d: {  	[tilespmem:s2+$0xFFFFFF80] =	vst v14;
	v4 =	vld.idx.msk [tilespmem:v13+s4+$0x0], $0xffff  }
0x19e: {  	s6 =	sadd.s32 $0x100, s6;
	[tilespmem:s2+$0x0] =	vst v8;
	v5 =	vld.idx.msk [tilespmem:v6+s4+$0x0], $0xffff  }
0x19f: {  	[tilespmem:s2+$0x10] =	vst v0  }
0x1a0: {  	[tilespmem:s2+$0x20] =	vst v1  }
0x1a1: {  	[tilespmem:s2+$0x30] =	vst v2  }
0x1a2: {  	[tilespmem:s2+$0x40] =	vst v3  }
0x1a3: {  	[tilespmem:s2+$0x50] =	vst v4  }
0x1a4: {  	[tilespmem:s2+$0x60] =	vst v5  }
0x1a5: {  	[hbm4b:s15+s22] =	stream.strided.scatter [tilespmem:s29], [sflag:$0x4], $0x1000, s23, s22, $0x38;
	[tilespmem:$0x1C700] =	vst v63  }
0x1a6: {  	_ =	swait.ge [sflag:s30], $0x1000  }
0x1a7: {  	[sflag:s30] =	ssyncset.done $0x0  }
0x1a8: {  	[sflag:s30] =	ssyncadd.s32 $0xFFFFF000  }
0x1a9: {  	[tilespmem:s24], [sflag:$0x2] =	stream.linear.gather [hbm4b:s16+s4], $0x1000, $0x38;
	[tilespmem:$0x1C700] =	vst v63  }
0x1aa: {  	_ =	swait.ge [sflag:s3], $0x1000  }
0x1ab: {  	[sflag:s3] =	ssyncset.done $0x0  }
0x1ac: {  	s6 =	simm.s32 $0x19780;
	[sflag:s3] =	ssyncadd.s32 $0xFFFFF000  }
0x1ad: {  	v0 =	vld [tilespmem:s6+$0x70]  }
0x1ae: {  	v1 =	vld [tilespmem:s6+$0xFFFFFF90]  }
0x1af: {  	v2 =	vld [tilespmem:s6+$0xFFFFFFA0]  }
0x1b0: {  	v3 =	vld [tilespmem:s6+$0xFFFFFFB0]  }
0x1b1: {  	v4 =	vld [tilespmem:s6+$0xFFFFFFC0]  }
0x1b2: {  	v5 =	vld [tilespmem:s6+$0xFFFFFFD0]  }
0x1b3: {  	v6 =	vld [tilespmem:s6+$0xFFFFFFE0]  }
0x1b4: {  	v7 =	vld [tilespmem:s6+$0xFFFFFFF0]  }
0x1b5: {  	v8 =	vld [tilespmem:s6+$0x0]  }
0x1b6: {  	v9 =	vld [tilespmem:s6+$0x10]  }
0x1b7: {  	v10 =	vld [tilespmem:s6+$0x20]  }
0x1b8: {  	v11 =	vld [tilespmem:s6+$0x30]  }
0x1b9: {  	v12 =	vld [tilespmem:s6+$0x40]  }
0x1ba: {  	v13 =	vld [tilespmem:s6+$0x50]  }
0x1bb: {  	v14 =	vld [tilespmem:s6+$0x60]  }
0x1bc: {  	v15 =	vld [tilespmem:s6+$0xFFFFFF80]  }
0x1bd: {  	v0 =	vld.idx.msk [tilespmem:v0+s4+$0x0], $0xffff  }
0x1be: {  	v1 =	vld.idx.msk [tilespmem:v1+s4+$0x0], $0xffff  }
0x1bf: {  	v2 =	vld.idx.msk [tilespmem:v2+s4+$0x0], $0xffff  }
0x1c0: {  	v3 =	vld.idx.msk [tilespmem:v3+s4+$0x0], $0xffff  }
0x1c1: {  	v4 =	vld.idx.msk [tilespmem:v4+s4+$0x0], $0xffff  }
0x1c2: {  	s2 =	simm.s32 $0x1B780;
	v5 =	vld.idx.msk [tilespmem:v5+s4+$0x0], $0xffff  }
0x1c3: {  	v6 =	vld.idx.msk [tilespmem:v6+s4+$0x0], $0xffff;
	[tilespmem:s2+$0x70] =	vst v0  }
0x1c4: {  	v7 =	vld.idx.msk [tilespmem:v7+s4+$0x0], $0xffff;
	[tilespmem:s2+$0xFFFFFF90] =	vst v1  }
0x1c5: {  	v15 =	vld.idx.msk [tilespmem:v15+s4+$0x0], $0xffff;
	[tilespmem:s2+$0xFFFFFFA0] =	vst v2  }
0x1c6: {  	v8 =	vld.idx.msk [tilespmem:v8+s4+$0x0], $0xffff;
	[tilespmem:s2+$0xFFFFFFB0] =	vst v3  }
0x1c7: {  	[tilespmem:s2+$0xFFFFFFC0] =	vst v4;
	v0 =	vld.idx.msk [tilespmem:v9+s4+$0x0], $0xffff  }
0x1c8: {  	[tilespmem:s2+$0xFFFFFFD0] =	vst v5;
	v1 =	vld.idx.msk [tilespmem:v10+s4+$0x0], $0xffff  }
0x1c9: {  	[tilespmem:s2+$0xFFFFFFE0] =	vst v6;
	v2 =	vld.idx.msk [tilespmem:v11+s4+$0x0], $0xffff  }
0x1ca: {  	[tilespmem:s2+$0xFFFFFFF0] =	vst v7;
	v3 =	vld.idx.msk [tilespmem:v12+s4+$0x0], $0xffff  }
0x1cb: {  	[tilespmem:s2+$0xFFFFFF80] =	vst v15;
	v4 =	vld.idx.msk [tilespmem:v13+s4+$0x0], $0xffff  }
0x1cc: {  	s5 =	simm.s32 $0x0;
	s6 =	simm.s32 $0x19880;
	[tilespmem:s2+$0x0] =	vst v8;
	v5 =	vld.idx.msk [tilespmem:v14+s4+$0x0], $0xffff  }
.LBB2_12:
0x1cd: {  	v6 =	vld [tilespmem:s6+$0x70];
	s5 =	sadd.s32 $0x100, s5;
	[tilespmem:s2+$0x10] =	vst v0  }
0x1ce: {  	v0 =	vld [tilespmem:s6+$0xFFFFFF90];
	p0 =	slt.u32 s5, $0xF00;
	[tilespmem:s2+$0x20] =	vst v1  }
0x1cf: {  	v1 =	vld [tilespmem:s6+$0xFFFFFFA0];
	[tilespmem:s2+$0x30] =	vst v2  }
0x1d0: {  	v2 =	vld [tilespmem:s6+$0xFFFFFFB0];
	[tilespmem:s2+$0x40] =	vst v3  }
0x1d1: {  	v3 =	vld [tilespmem:s6+$0xFFFFFFC0];
	[tilespmem:s2+$0x50] =	vst v4  }
0x1d2: {  	v4 =	vld [tilespmem:s6+$0xFFFFFFD0];
	[tilespmem:s2+$0x60] =	vst v5  }
0x1d3: {  	v5 =	vld [tilespmem:s6+$0xFFFFFFE0]  }
0x1d4: {  	v7 =	vld [tilespmem:s6+$0xFFFFFFF0]  }
0x1d5: {  	v6 =	vld.idx.msk [tilespmem:v6+s4+$0x0], $0xffff  }
0x1d6: {  	v8 =	vld [tilespmem:s6+$0x0]  }
0x1d7: {  	v9 =	vld [tilespmem:s6+$0x10]  }
0x1d8: {  	v10 =	vld [tilespmem:s6+$0x20]  }
0x1d9: {  	v11 =	vld [tilespmem:s6+$0x30]  }
0x1da: {  	s2 =	sadd.s32 $0x100, s2;
	v12 =	vld [tilespmem:s6+$0x40]  }
0x1db: {  	v13 =	vld [tilespmem:s6+$0x50];
	[tilespmem:s2+$0x70] =	vst v6  }
0x1dc: {  	v6 =	vld [tilespmem:s6+$0x60]  }
0x1dd: {  	v14 =	vld [tilespmem:s6+$0xFFFFFF80]  }
0x1de: {  	v0 =	vld.idx.msk [tilespmem:v0+s4+$0x0], $0xffff  }
0x1df: {  	v1 =	vld.idx.msk [tilespmem:v1+s4+$0x0], $0xffff  }
0x1e0: {  	v2 =	vld.idx.msk [tilespmem:v2+s4+$0x0], $0xffff  }
0x1e1: {  	v3 =	vld.idx.msk [tilespmem:v3+s4+$0x0], $0xffff  }
0x1e2: {  	v4 =	vld.idx.msk [tilespmem:v4+s4+$0x0], $0xffff  }
0x1e3: {  	v5 =	vld.idx.msk [tilespmem:v5+s4+$0x0], $0xffff  }
0x1e4: {  	[tilespmem:s2+$0xFFFFFF90] =	vst v0;
	v7 =	vld.idx.msk [tilespmem:v7+s4+$0x0], $0xffff  }
0x1e5: {  	v14 =	vld.idx.msk [tilespmem:v14+s4+$0x0], $0xffff;
	[tilespmem:s2+$0xFFFFFFA0] =	vst v1  }
0x1e6: {  	[tilespmem:s2+$0xFFFFFFB0] =	vst v2;
	v8 =	vld.idx.msk [tilespmem:v8+s4+$0x0], $0xffff  }
0x1e7: {  	[tilespmem:s2+$0xFFFFFFC0] =	vst v3;
	v0 =	vld.idx.msk [tilespmem:v9+s4+$0x0], $0xffff  }
.Ltmp5:
0x1e8: {  	[tilespmem:s2+$0xFFFFFFD0] =	vst v4;
	v1 =	vld.idx.msk [tilespmem:v10+s4+$0x0], $0xffff;
	(pc) =	sbr.rel @p0 .LBB2_12-.Ltmp5, $4  }
0x1e9: {  	[tilespmem:s2+$0xFFFFFFE0] =	vst v5;
	v2 =	vld.idx.msk [tilespmem:v11+s4+$0x0], $0xffff  }
0x1ea: {  	[tilespmem:s2+$0xFFFFFFF0] =	vst v7;
	v3 =	vld.idx.msk [tilespmem:v12+s4+$0x0], $0xffff  }
0x1eb: {  	[tilespmem:s2+$0xFFFFFF80] =	vst v14;
	v4 =	vld.idx.msk [tilespmem:v13+s4+$0x0], $0xffff  }
0x1ec: {  	s6 =	sadd.s32 $0x100, s6;
	[tilespmem:s2+$0x0] =	vst v8;
	v5 =	vld.idx.msk [tilespmem:v6+s4+$0x0], $0xffff  }
0x1ed: {  	[tilespmem:s2+$0x10] =	vst v0  }
0x1ee: {  	[tilespmem:s2+$0x20] =	vst v1  }
0x1ef: {  	[tilespmem:s2+$0x30] =	vst v2  }
0x1f0: {  	[tilespmem:s2+$0x40] =	vst v3  }
0x1f1: {  	[tilespmem:s2+$0x50] =	vst v4  }
0x1f2: {  	[tilespmem:s2+$0x60] =	vst v5  }
0x1f3: {  	[hbm4b:s17+s22] =	stream.strided.scatter [tilespmem:s31], [sflag:$0x5], $0x1000, s23, s22, $0x38;
	[tilespmem:$0x1C700] =	vst v63  }
0x1f4: {  	_ =	swait.ge [sflag:s25], $0x1000  }
0x1f5: {  	[sflag:s25] =	ssyncset.done $0x0  }
0x1f6: {  	[sflag:s25] =	ssyncadd.s32 $0xFFFFF000  }
0x1f7: {  	[tilespmem:s26], [sflag:$0x3] =	stream.linear.gather [hbm4b:s18+s4], $0x1000, $0x38;
	[tilespmem:$0x1C700] =	vst v63  }
0x1f8: {  	_ =	swait.ge [sflag:s0], $0x1000  }
0x1f9: {  	[sflag:s0] =	ssyncset.done $0x0  }
0x1fa: {  	s6 =	simm.s32 $0x18780;
	[sflag:s0] =	ssyncadd.s32 $0xFFFFF000  }
0x1fb: {  	v0 =	vld [tilespmem:s6+$0x70]  }
0x1fc: {  	v1 =	vld [tilespmem:s6+$0xFFFFFF90]  }
0x1fd: {  	v2 =	vld [tilespmem:s6+$0xFFFFFFA0]  }
0x1fe: {  	v3 =	vld [tilespmem:s6+$0xFFFFFFB0]  }
0x1ff: {  	v4 =	vld [tilespmem:s6+$0xFFFFFFC0]  }
0x200: {  	v5 =	vld [tilespmem:s6+$0xFFFFFFD0]  }
0x201: {  	v6 =	vld [tilespmem:s6+$0xFFFFFFE0]  }
0x202: {  	v7 =	vld [tilespmem:s6+$0xFFFFFFF0]  }
0x203: {  	v8 =	vld [tilespmem:s6+$0x0]  }
0x204: {  	v9 =	vld [tilespmem:s6+$0x10]  }
0x205: {  	v10 =	vld [tilespmem:s6+$0x20]  }
0x206: {  	v11 =	vld [tilespmem:s6+$0x30]  }
0x207: {  	v12 =	vld [tilespmem:s6+$0x40]  }
0x208: {  	v13 =	vld [tilespmem:s6+$0x50]  }
0x209: {  	v14 =	vld [tilespmem:s6+$0x60]  }
0x20a: {  	v15 =	vld [tilespmem:s6+$0xFFFFFF80]  }
0x20b: {  	v0 =	vld.idx.msk [tilespmem:v0+s4+$0x0], $0xffff  }
0x20c: {  	v1 =	vld.idx.msk [tilespmem:v1+s4+$0x0], $0xffff  }
0x20d: {  	v2 =	vld.idx.msk [tilespmem:v2+s4+$0x0], $0xffff  }
0x20e: {  	v3 =	vld.idx.msk [tilespmem:v3+s4+$0x0], $0xffff  }
0x20f: {  	v4 =	vld.idx.msk [tilespmem:v4+s4+$0x0], $0xffff  }
0x210: {  	s2 =	simm.s32 $0x1A780;
	v5 =	vld.idx.msk [tilespmem:v5+s4+$0x0], $0xffff  }
0x211: {  	v6 =	vld.idx.msk [tilespmem:v6+s4+$0x0], $0xffff;
	[tilespmem:s2+$0x70] =	vst v0  }
0x212: {  	v7 =	vld.idx.msk [tilespmem:v7+s4+$0x0], $0xffff;
	[tilespmem:s2+$0xFFFFFF90] =	vst v1  }
0x213: {  	v15 =	vld.idx.msk [tilespmem:v15+s4+$0x0], $0xffff;
	[tilespmem:s2+$0xFFFFFFA0] =	vst v2  }
0x214: {  	v8 =	vld.idx.msk [tilespmem:v8+s4+$0x0], $0xffff;
	[tilespmem:s2+$0xFFFFFFB0] =	vst v3  }
0x215: {  	[tilespmem:s2+$0xFFFFFFC0] =	vst v4;
	v0 =	vld.idx.msk [tilespmem:v9+s4+$0x0], $0xffff  }
0x216: {  	[tilespmem:s2+$0xFFFFFFD0] =	vst v5;
	v1 =	vld.idx.msk [tilespmem:v10+s4+$0x0], $0xffff  }
0x217: {  	[tilespmem:s2+$0xFFFFFFE0] =	vst v6;
	v2 =	vld.idx.msk [tilespmem:v11+s4+$0x0], $0xffff  }
0x218: {  	[tilespmem:s2+$0xFFFFFFF0] =	vst v7;
	v3 =	vld.idx.msk [tilespmem:v12+s4+$0x0], $0xffff  }
0x219: {  	[tilespmem:s2+$0xFFFFFF80] =	vst v15;
	v4 =	vld.idx.msk [tilespmem:v13+s4+$0x0], $0xffff  }
0x21a: {  	s5 =	simm.s32 $0x0;
	s6 =	simm.s32 $0x18880;
	[tilespmem:s2+$0x0] =	vst v8;
	v5 =	vld.idx.msk [tilespmem:v14+s4+$0x0], $0xffff  }
.LBB2_14:
0x21b: {  	v6 =	vld [tilespmem:s6+$0x70];
	s5 =	sadd.s32 $0x100, s5;
	[tilespmem:s2+$0x10] =	vst v0  }
0x21c: {  	v0 =	vld [tilespmem:s6+$0xFFFFFF90];
	p0 =	slt.u32 s5, $0xF00;
	[tilespmem:s2+$0x20] =	vst v1  }
0x21d: {  	v1 =	vld [tilespmem:s6+$0xFFFFFFA0];
	[tilespmem:s2+$0x30] =	vst v2  }
0x21e: {  	v2 =	vld [tilespmem:s6+$0xFFFFFFB0];
	[tilespmem:s2+$0x40] =	vst v3  }
0x21f: {  	v3 =	vld [tilespmem:s6+$0xFFFFFFC0];
	[tilespmem:s2+$0x50] =	vst v4  }
0x220: {  	v4 =	vld [tilespmem:s6+$0xFFFFFFD0];
	[tilespmem:s2+$0x60] =	vst v5  }
0x221: {  	v5 =	vld [tilespmem:s6+$0xFFFFFFE0]  }
0x222: {  	v7 =	vld [tilespmem:s6+$0xFFFFFFF0]  }
0x223: {  	v6 =	vld.idx.msk [tilespmem:v6+s4+$0x0], $0xffff  }
0x224: {  	v8 =	vld [tilespmem:s6+$0x0]  }
0x225: {  	v9 =	vld [tilespmem:s6+$0x10]  }
0x226: {  	v10 =	vld [tilespmem:s6+$0x20]  }
0x227: {  	v11 =	vld [tilespmem:s6+$0x30]  }
0x228: {  	s2 =	sadd.s32 $0x100, s2;
	v12 =	vld [tilespmem:s6+$0x40]  }
0x229: {  	v13 =	vld [tilespmem:s6+$0x50];
	[tilespmem:s2+$0x70] =	vst v6  }
0x22a: {  	v6 =	vld [tilespmem:s6+$0x60]  }
0x22b: {  	v14 =	vld [tilespmem:s6+$0xFFFFFF80]  }
0x22c: {  	v0 =	vld.idx.msk [tilespmem:v0+s4+$0x0], $0xffff  }
0x22d: {  	v1 =	vld.idx.msk [tilespmem:v1+s4+$0x0], $0xffff  }
0x22e: {  	v2 =	vld.idx.msk [tilespmem:v2+s4+$0x0], $0xffff  }
0x22f: {  	v3 =	vld.idx.msk [tilespmem:v3+s4+$0x0], $0xffff  }
0x230: {  	v4 =	vld.idx.msk [tilespmem:v4+s4+$0x0], $0xffff  }
0x231: {  	v5 =	vld.idx.msk [tilespmem:v5+s4+$0x0], $0xffff  }
0x232: {  	[tilespmem:s2+$0xFFFFFF90] =	vst v0;
	v7 =	vld.idx.msk [tilespmem:v7+s4+$0x0], $0xffff  }
0x233: {  	v14 =	vld.idx.msk [tilespmem:v14+s4+$0x0], $0xffff;
	[tilespmem:s2+$0xFFFFFFA0] =	vst v1  }
0x234: {  	[tilespmem:s2+$0xFFFFFFB0] =	vst v2;
	v8 =	vld.idx.msk [tilespmem:v8+s4+$0x0], $0xffff  }
0x235: {  	[tilespmem:s2+$0xFFFFFFC0] =	vst v3;
	v0 =	vld.idx.msk [tilespmem:v9+s4+$0x0], $0xffff  }
.Ltmp6:
0x236: {  	[tilespmem:s2+$0xFFFFFFD0] =	vst v4;
	v1 =	vld.idx.msk [tilespmem:v10+s4+$0x0], $0xffff;
	(pc) =	sbr.rel @p0 .LBB2_14-.Ltmp6, $4  }
0x237: {  	[tilespmem:s2+$0xFFFFFFE0] =	vst v5;
	v2 =	vld.idx.msk [tilespmem:v11+s4+$0x0], $0xffff  }
0x238: {  	[tilespmem:s2+$0xFFFFFFF0] =	vst v7;
	v3 =	vld.idx.msk [tilespmem:v12+s4+$0x0], $0xffff  }
0x239: {  	[tilespmem:s2+$0xFFFFFF80] =	vst v14;
	v4 =	vld.idx.msk [tilespmem:v13+s4+$0x0], $0xffff  }
0x23a: {  	s6 =	sadd.s32 $0x100, s6;
	[tilespmem:s2+$0x0] =	vst v8;
	v5 =	vld.idx.msk [tilespmem:v6+s4+$0x0], $0xffff  }
0x23b: {  	[tilespmem:s2+$0x10] =	vst v0  }
0x23c: {  	[tilespmem:s2+$0x20] =	vst v1  }
0x23d: {  	[tilespmem:s2+$0x30] =	vst v2  }
0x23e: {  	[tilespmem:s2+$0x40] =	vst v3  }
0x23f: {  	[tilespmem:s2+$0x50] =	vst v4  }
0x240: {  	[tilespmem:s2+$0x60] =	vst v5  }
0x241: {  	[hbm4b:s19+s22] =	stream.strided.scatter [tilespmem:s29], [sflag:$0x4], $0x1000, s23, s22, $0x38;
	[tilespmem:$0x1C700] =	vst v63  }
0x242: {  	_ =	swait.ge [sflag:s30], $0x1000  }
0x243: {  	[sflag:s30] =	ssyncset.done $0x0  }
0x244: {  	[sflag:s30] =	ssyncadd.s32 $0xFFFFF000  }
0x245: {  	_ =	swait.ge [sflag:s3], $0x1000  }
0x246: {  	[sflag:s3] =	ssyncset.done $0x0  }
0x247: {  	s6 =	simm.s32 $0x19780;
	[sflag:s3] =	ssyncadd.s32 $0xFFFFF000  }
0x248: {  	v0 =	vld [tilespmem:s6+$0x70]  }
0x249: {  	v1 =	vld [tilespmem:s6+$0xFFFFFF90]  }
0x24a: {  	v2 =	vld [tilespmem:s6+$0xFFFFFFA0]  }
0x24b: {  	v3 =	vld [tilespmem:s6+$0xFFFFFFB0]  }
0x24c: {  	v4 =	vld [tilespmem:s6+$0xFFFFFFC0]  }
0x24d: {  	v5 =	vld [tilespmem:s6+$0xFFFFFFD0]  }
0x24e: {  	v6 =	vld [tilespmem:s6+$0xFFFFFFE0]  }
0x24f: {  	v7 =	vld [tilespmem:s6+$0xFFFFFFF0]  }
0x250: {  	v8 =	vld [tilespmem:s6+$0x0]  }
0x251: {  	v9 =	vld [tilespmem:s6+$0x10]  }
0x252: {  	v10 =	vld [tilespmem:s6+$0x20]  }
0x253: {  	v11 =	vld [tilespmem:s6+$0x30]  }
0x254: {  	v12 =	vld [tilespmem:s6+$0x40]  }
0x255: {  	v13 =	vld [tilespmem:s6+$0x50]  }
0x256: {  	v14 =	vld [tilespmem:s6+$0x60]  }
0x257: {  	v15 =	vld [tilespmem:s6+$0xFFFFFF80]  }
0x258: {  	v0 =	vld.idx.msk [tilespmem:v0+s4+$0x0], $0xffff  }
0x259: {  	v1 =	vld.idx.msk [tilespmem:v1+s4+$0x0], $0xffff  }
0x25a: {  	v2 =	vld.idx.msk [tilespmem:v2+s4+$0x0], $0xffff  }
0x25b: {  	v3 =	vld.idx.msk [tilespmem:v3+s4+$0x0], $0xffff  }
0x25c: {  	v4 =	vld.idx.msk [tilespmem:v4+s4+$0x0], $0xffff  }
0x25d: {  	s2 =	simm.s32 $0x1B780;
	v5 =	vld.idx.msk [tilespmem:v5+s4+$0x0], $0xffff  }
0x25e: {  	v6 =	vld.idx.msk [tilespmem:v6+s4+$0x0], $0xffff;
	[tilespmem:s2+$0x70] =	vst v0  }
0x25f: {  	v7 =	vld.idx.msk [tilespmem:v7+s4+$0x0], $0xffff;
	[tilespmem:s2+$0xFFFFFF90] =	vst v1  }
0x260: {  	v15 =	vld.idx.msk [tilespmem:v15+s4+$0x0], $0xffff;
	[tilespmem:s2+$0xFFFFFFA0] =	vst v2  }
0x261: {  	v8 =	vld.idx.msk [tilespmem:v8+s4+$0x0], $0xffff;
	[tilespmem:s2+$0xFFFFFFB0] =	vst v3  }
0x262: {  	[tilespmem:s2+$0xFFFFFFC0] =	vst v4;
	v0 =	vld.idx.msk [tilespmem:v9+s4+$0x0], $0xffff  }
0x263: {  	[tilespmem:s2+$0xFFFFFFD0] =	vst v5;
	v1 =	vld.idx.msk [tilespmem:v10+s4+$0x0], $0xffff  }
0x264: {  	[tilespmem:s2+$0xFFFFFFE0] =	vst v6;
	v2 =	vld.idx.msk [tilespmem:v11+s4+$0x0], $0xffff  }
0x265: {  	[tilespmem:s2+$0xFFFFFFF0] =	vst v7;
	v3 =	vld.idx.msk [tilespmem:v12+s4+$0x0], $0xffff  }
0x266: {  	[tilespmem:s2+$0xFFFFFF80] =	vst v15;
	v4 =	vld.idx.msk [tilespmem:v13+s4+$0x0], $0xffff  }
0x267: {  	s5 =	simm.s32 $0x0;
	s6 =	simm.s32 $0x19880;
	[tilespmem:s2+$0x0] =	vst v8;
	v5 =	vld.idx.msk [tilespmem:v14+s4+$0x0], $0xffff  }
.LBB2_16:
0x268: {  	v6 =	vld [tilespmem:s6+$0x70];
	s5 =	sadd.s32 $0x100, s5;
	[tilespmem:s2+$0x10] =	vst v0  }
0x269: {  	v0 =	vld [tilespmem:s6+$0xFFFFFF90];
	p0 =	slt.u32 s5, $0xF00;
	[tilespmem:s2+$0x20] =	vst v1  }
0x26a: {  	v1 =	vld [tilespmem:s6+$0xFFFFFFA0];
	[tilespmem:s2+$0x30] =	vst v2  }
0x26b: {  	v2 =	vld [tilespmem:s6+$0xFFFFFFB0];
	[tilespmem:s2+$0x40] =	vst v3  }
0x26c: {  	v3 =	vld [tilespmem:s6+$0xFFFFFFC0];
	[tilespmem:s2+$0x50] =	vst v4  }
0x26d: {  	v4 =	vld [tilespmem:s6+$0xFFFFFFD0];
	[tilespmem:s2+$0x60] =	vst v5  }
0x26e: {  	v5 =	vld [tilespmem:s6+$0xFFFFFFE0]  }
0x26f: {  	v7 =	vld [tilespmem:s6+$0xFFFFFFF0]  }
0x270: {  	v6 =	vld.idx.msk [tilespmem:v6+s4+$0x0], $0xffff  }
0x271: {  	v8 =	vld [tilespmem:s6+$0x0]  }
0x272: {  	v9 =	vld [tilespmem:s6+$0x10]  }
0x273: {  	v10 =	vld [tilespmem:s6+$0x20]  }
0x274: {  	v11 =	vld [tilespmem:s6+$0x30]  }
0x275: {  	s2 =	sadd.s32 $0x100, s2;
	v12 =	vld [tilespmem:s6+$0x40]  }
0x276: {  	v13 =	vld [tilespmem:s6+$0x50];
	[tilespmem:s2+$0x70] =	vst v6  }
0x277: {  	v6 =	vld [tilespmem:s6+$0x60]  }
0x278: {  	v14 =	vld [tilespmem:s6+$0xFFFFFF80]  }
0x279: {  	v0 =	vld.idx.msk [tilespmem:v0+s4+$0x0], $0xffff  }
0x27a: {  	v1 =	vld.idx.msk [tilespmem:v1+s4+$0x0], $0xffff  }
0x27b: {  	v2 =	vld.idx.msk [tilespmem:v2+s4+$0x0], $0xffff  }
0x27c: {  	v3 =	vld.idx.msk [tilespmem:v3+s4+$0x0], $0xffff  }
0x27d: {  	v4 =	vld.idx.msk [tilespmem:v4+s4+$0x0], $0xffff  }
0x27e: {  	v5 =	vld.idx.msk [tilespmem:v5+s4+$0x0], $0xffff  }
0x27f: {  	[tilespmem:s2+$0xFFFFFF90] =	vst v0;
	v7 =	vld.idx.msk [tilespmem:v7+s4+$0x0], $0xffff  }
0x280: {  	v14 =	vld.idx.msk [tilespmem:v14+s4+$0x0], $0xffff;
	[tilespmem:s2+$0xFFFFFFA0] =	vst v1  }
0x281: {  	[tilespmem:s2+$0xFFFFFFB0] =	vst v2;
	v8 =	vld.idx.msk [tilespmem:v8+s4+$0x0], $0xffff  }
0x282: {  	[tilespmem:s2+$0xFFFFFFC0] =	vst v3;
	v0 =	vld.idx.msk [tilespmem:v9+s4+$0x0], $0xffff  }
.Ltmp7:
0x283: {  	[tilespmem:s2+$0xFFFFFFD0] =	vst v4;
	v1 =	vld.idx.msk [tilespmem:v10+s4+$0x0], $0xffff;
	(pc) =	sbr.rel @p0 .LBB2_16-.Ltmp7, $4  }
0x284: {  	[tilespmem:s2+$0xFFFFFFE0] =	vst v5;
	v2 =	vld.idx.msk [tilespmem:v11+s4+$0x0], $0xffff  }
0x285: {  	[tilespmem:s2+$0xFFFFFFF0] =	vst v7;
	v3 =	vld.idx.msk [tilespmem:v12+s4+$0x0], $0xffff  }
0x286: {  	[tilespmem:s2+$0xFFFFFF80] =	vst v14;
	v4 =	vld.idx.msk [tilespmem:v13+s4+$0x0], $0xffff  }
0x287: {  	s6 =	sadd.s32 $0x100, s6;
	[tilespmem:s2+$0x0] =	vst v8;
	v5 =	vld.idx.msk [tilespmem:v6+s4+$0x0], $0xffff  }
0x288: {  	[tilespmem:s2+$0x10] =	vst v0  }
0x289: {  	[tilespmem:s2+$0x20] =	vst v1  }
0x28a: {  	[tilespmem:s2+$0x30] =	vst v2  }
0x28b: {  	[tilespmem:s2+$0x40] =	vst v3  }
0x28c: {  	[tilespmem:s2+$0x50] =	vst v4  }
0x28d: {  	s1 =	sadd.s32 $0x1, s1;
	[tilespmem:s2+$0x60] =	vst v5  }
0x28e: {  	[hbm4b:s20+s22] =	stream.strided.scatter [tilespmem:s31], [sflag:$0x5], $0x1000, s23, s22, $0x38;
	[tilespmem:$0x1C700] =	vst v63  }
0x28f: {  	p0 =	sne.s32 s1, s21;
	_ =	swait.ge [sflag:s0], $0x1000  }
.Ltmp8:
0x290: {  	[sflag:s0] =	ssyncset.done $0x0;
	(pc) =	sbr.rel @p0 .LBB2_1-.Ltmp8, $4  }
0x291: {  	[sflag:s0] =	ssyncadd.s32 $0xFFFFF000  }
0x292: {  	_ =	swait.ge [sflag:s3], $0x1000  }
0x293: {  	[sflag:s3] =	ssyncset.done $0x0  }
0x294: {  	[sflag:s3] =	ssyncadd.s32 $0xFFFFF000  }
0x295: {  	_ =	sfence.sel $0x180000  }
0x296: {  	[bflag:$0x0] =	sbarrier.arrive $0xFFFF  }
0x297: {  	_ =	strace $0x90000047  }
0x298: {  	s0 =	stileid.u32;
	[bflag:$0x2] =	sbarrier.arrive $0xFFFF  }
0x299: {  	p0 =	sne.s32 s0, $0x0;
	s0 =	rddreg [dreg:$0x5]  }
0x29a: {  	s0 =	sadd.s32 @!p0 $0x100000, s0  }
0x29b: {  	[sflag:s0] =	ssyncadd.tile.s32 @!p0 $0x1;
	_ =	shalt  }
.Lfunc_end2:
_tile_overlayer_lowered:
.L_overlay_start_2:
0x29c: {  	(tag) =	ssettag $0x2  }
0x29d: {  	s0 =	rddreg [dreg:$0x0];
	s2 =	stileid.u32  }
0x29e: {  	s1 =	rddreg [dreg:$0x1];
	p0 =	sne.s32 s2, $0x0  }
0x29f: {  	s3 =	rddreg [dreg:$0x2];
	[bflag:$0x3] =	sbarrier.arrive $0xFFFF;
	s2 =	simm.s32 @!p0 $0x1C06  }
0x2a0: {  	[timem:s3], [sflag:s2] =	dma.local @!p0 [hbm:s0], s1  }
0x2a1: {  	s0 =	simm.s32 @!p0 $0x6  }
0x2a2: {  	_ =	swait.ge @!p0 [sflag:s0], s1  }
0x2a3: {  	s1 =	ssub.s32 @!p0 $0x0, s1;
	[sflag:s0] =	ssyncset.done @!p0 $0x0  }
0x2a4: {  	[sflag:s0] =	ssyncadd.s32 @!p0 s1  }
0x2a5: {  	[bflag:$0x3] =	sbarrier.arrive $0xFFFF  }
0x2a6: {  	_ =	shalt  }

</sc_bundles>
